<compile_context>
chip_gen: v7x
topology: tpu7x:2x2x1
jax: 0.10.2.dev20260603
libtpu: 0.0.44.dev20260713+nightly
codegen_flags: <defaults>
</compile_context>

<pallas_src>
import functools

import jax
import jax.numpy as jnp
from jax import lax
from jax.experimental import pallas as pl
from jax.experimental.pallas import tpu as pltpu
from jax.experimental.pallas import tpu_sc as plsc

N_NODES = 10000
N_EDGES = 320000
D = 128

NC = 2
NS = 16
NW = NC * NS
CHUNK = 128
NCHUNK = 80
EPW = NCHUNK * CHUNK
E_PAD = NW * EPW
NPAD = 10240
STRIPE = NPAD // NS
ZCH = 128

_mesh = plsc.VectorSubcoreMesh(core_axis_name="c", subcore_axis_name="s")


@functools.partial(
    pl.kernel,
    mesh=_mesh,
    out_type=jax.ShapeDtypeStruct((NC, NPAD, D), jnp.float32),
    scratch_types=[
        pltpu.VMEM((NCHUNK, CHUNK), jnp.int32),
        pltpu.VMEM((ZCH, D), jnp.float32),
        pltpu.VMEM_SHARED((NPAD, D), jnp.float32),
        pltpu.SemaphoreType.DMA,
    ],
)
def _sc_degree(dst_hbm, ones_hbm, zeros_hbm, out_hbm, idx_v, buf, acc_s, sem):
    c = lax.axis_index("c")
    s = lax.axis_index("s")
    wid = s * NC + c
    pltpu.sync_copy(dst_hbm.at[wid], idx_v)
    pltpu.sync_copy(zeros_hbm, buf)
    for r in range(STRIPE // ZCH):
        pltpu.sync_copy(buf, acc_s.at[pl.ds(s * STRIPE + r * ZCH, ZCH)])
    pltpu.sync_copy(ones_hbm, buf)
    plsc.subcore_barrier()

    DEPTH = 4
    for p in range(DEPTH):
        pltpu.async_copy(buf, acc_s.at[idx_v.at[p]], sem, add=True)

    def body(j, carry):
        pltpu.make_async_copy(buf, acc_s.at[idx_v.at[j]], sem).wait()
        pltpu.async_copy(buf, acc_s.at[idx_v.at[j + DEPTH]], sem, add=True)
        return carry

    lax.fori_loop(0, NCHUNK - DEPTH, body, 0)
    for p in range(DEPTH):
        pltpu.make_async_copy(buf, acc_s.at[idx_v.at[NCHUNK - DEPTH + p]], sem).wait()
    plsc.subcore_barrier()
    pltpu.sync_copy(
        acc_s.at[pl.ds(s * STRIPE, STRIPE)],
        out_hbm.at[c, pl.ds(s * STRIPE, STRIPE)],
    )


@functools.partial(
    pl.kernel,
    mesh=_mesh,
    out_type=jax.ShapeDtypeStruct((NC, NPAD, D), jnp.float32),
    scratch_types=[
        pltpu.VMEM((NCHUNK, CHUNK), jnp.int32),
        pltpu.VMEM((2, CHUNK), jnp.int32),
        pltpu.VMEM((CHUNK, D), jnp.float32),
        pltpu.VMEM((CHUNK, D), jnp.float32),
        pltpu.VMEM_SHARED((NPAD, D), jnp.float32),
        pltpu.SemaphoreType.DMA,
        pltpu.SemaphoreType.DMA,
    ],
)
def _sc_edge_accum(y_hbm, src_hbm, dst_hbm, zeros_hbm, out_hbm,
                   src_v, dst_v, buf0, buf1, acc_s, semg, semd):
    c = lax.axis_index("c")
    s = lax.axis_index("s")
    wid = s * NC + c
    pltpu.sync_copy(src_hbm.at[wid], src_v)
    pltpu.sync_copy(zeros_hbm, buf0)
    for r in range(STRIPE // CHUNK):
        pltpu.sync_copy(buf0, acc_s.at[pl.ds(s * STRIPE + r * CHUNK, CHUNK)])
    plsc.subcore_barrier()
    bufs = (buf0, buf1)

    pltpu.async_copy(y_hbm.at[src_v.at[0]], buf0, semg)
    pltpu.async_copy(dst_hbm.at[wid, 0], dst_v.at[0], semd)

    def body(g, carry):
        for b in range(2):
            j = g * 2 + b
            nxt = j + 1
            pltpu.make_async_copy(y_hbm.at[src_v.at[j]], bufs[b], semg).wait()

            @pl.when(nxt < NCHUNK)
            def _():
                pltpu.async_copy(y_hbm.at[src_v.at[nxt]], bufs[1 - b], semg)
                pltpu.async_copy(dst_hbm.at[wid, nxt], dst_v.at[1 - b], semd)

            pltpu.make_async_copy(dst_hbm.at[wid, j], dst_v.at[b], semd).wait()
            pltpu.sync_copy(bufs[b], acc_s.at[dst_v.at[b]], add=True)
        return carry

    lax.fori_loop(0, NCHUNK // 2, body, 0)
    plsc.subcore_barrier()
    pltpu.sync_copy(
        acc_s.at[pl.ds(s * STRIPE, STRIPE)],
        out_hbm.at[c, pl.ds(s * STRIPE, STRIPE)],
    )


def _tc_prep_body(x_ref, w_ref, dp_ref, y_ref, dinv_ref):
    deg = 1.0 + dp_ref[0, :N_NODES, 0:1] + dp_ref[1, :N_NODES, 0:1]
    dinv = lax.rsqrt(deg)
    xw = jnp.dot(x_ref[...], w_ref[...], preferred_element_type=jnp.float32)
    y_ref[...] = xw * dinv
    dinv_ref[...] = dinv


def _tc_final_body(acc_ref, y_ref, dinv_ref, b_ref, o_ref):
    o_ref[...] = (
        acc_ref[0, :N_NODES] + acc_ref[1, :N_NODES] + y_ref[...]
    ) * dinv_ref[...] + b_ref[...][None, :]


def kernel(x, edge_index, W, b):
    npad_e = E_PAD - N_EDGES
    pad_ids = jnp.arange(npad_e, dtype=edge_index.dtype)
    src = jnp.concatenate(
        [edge_index[0], pad_ids % N_NODES]
    ).reshape(NW, NCHUNK, CHUNK)
    dst = jnp.concatenate(
        [edge_index[1], N_NODES + pad_ids % (NPAD - N_NODES)]
    ).reshape(NW, NCHUNK, CHUNK)
    zerosZ = jnp.zeros((ZCH, D), jnp.float32)
    zerosC = jnp.zeros((CHUNK, D), jnp.float32)
    onesD = jnp.ones((ZCH, D), jnp.float32)

    deg_partial = _sc_degree(dst, onesD, zerosZ)

    y, dinv = pl.pallas_call(
        _tc_prep_body,
        out_shape=[
            jax.ShapeDtypeStruct((N_NODES, D), jnp.float32),
            jax.ShapeDtypeStruct((N_NODES, 1), jnp.float32),
        ],
    )(x, W, deg_partial)

    acc = _sc_edge_accum(y, src, dst, zerosC)

    out = pl.pallas_call(
        _tc_final_body,
        out_shape=jax.ShapeDtypeStruct((N_NODES, D), jnp.float32),
    )(acc, y, dinv, b)
    return out

# --- scband reference (transcript-rebuilt; emitter-appended) ---
"""Pipeline reference for scband-gcnlayer-25314537242828 (READ-ONLY COPY).

The authoritative reference and input builder live on the scoring server;
editing this copy changes nothing except your own understanding.
"""

import jax, jax.numpy as jnp
import numpy as np

N_NODES = 10000
N_EDGES = 320000
D_IN = 128
D_OUT = 128


def setup_inputs(seed: int = 0) -> dict:
    key = jax.random.key(seed)
    k1, k2, k3 = jax.random.split(key, 3)
    x = jax.random.normal(k1, (N_NODES, D_IN), dtype=jnp.float32)
    edge_index = jax.random.randint(k2, (2, N_EDGES), 0, N_NODES, dtype=jnp.int32)
    # GCNConv linear weight (glorot-ish init) and bias
    W = jax.random.normal(k3, (D_IN, D_OUT), dtype=jnp.float32) * (1.0 / np.sqrt(D_IN))
    b = jnp.zeros((D_OUT,), dtype=jnp.float32)
    return {"x": x, "edge_index": edge_index, "W": W, "b": b}


def reference(x, edge_index, W, b):
    # Dropout is identity in eval mode.
    N = x.shape[0]
    loop = jnp.arange(N, dtype=edge_index.dtype)
    src = jnp.concatenate([edge_index[0], loop])
    dst = jnp.concatenate([edge_index[1], loop])
    # symmetric normalization D^{-1/2} (A+I) D^{-1/2}, deg computed on dst (col)
    deg = jnp.zeros((N,), dtype=x.dtype).at[dst].add(1.0)
    dinv = jnp.where(deg > 0, deg ** -0.5, 0.0)
    norm = dinv[src] * dinv[dst]
    xw = x @ W
    msg = xw[src] * norm[:, None]
    out = jnp.zeros((N, W.shape[1]), dtype=x.dtype).at[dst].add(msg)
    return out + b

if __name__ == "__main__":
    import jax
    _d = setup_inputs()
    print(jax.jit(kernel)(*tuple(_d.values())))

</pallas_src>

<mosaic_0001>
#map = affine_map<(d0, d1) -> (0, 0, 0)>
#map1 = affine_map<(d0, d1) -> (0, 0)>
module attributes {stable_mosaic.version = 14 : i64} {
  func.func @_sc_degree(%arg0: i32, %arg1: i32, %arg2: memref<32x80x128xi32, #tpu.memory_space<hbm>>, %arg3: memref<128x128xf32, #tpu.memory_space<hbm>>, %arg4: memref<128x128xf32, #tpu.memory_space<hbm>>, %arg5: memref<2x10240x128xf32, #tpu.memory_space<hbm>>, %arg6: memref<80x128xi32, #tpu.memory_space<vmem>>, %arg7: memref<128x128xf32, #tpu.memory_space<vmem>>, %arg8: memref<10240x128xf32, #tpu.memory_space<vmem_shared>>, %arg9: memref<!tpu.dma_semaphore, #tpu.memory_space<semaphore_mem>>) attributes {dimension_semantics = [#tpu.dimension_semantics<core_parallel>, #tpu.dimension_semantics<subcore_parallel>], iteration_bounds = array<i64: 2, 16>, scalar_prefetch = 0 : i64, scratch_operands = 4 : i64, tpu.core_type = #tpu.core_type<sc_vector_subcore>, window_params = [{transform_indices = #map}, {transform_indices = #map1}, {transform_indices = #map1}, {transform_indices = #map}]} {
    %mul3A = arith.constant 2 : i32
    %mul3A_0 = arith.muli %arg1, %mul3A : i32
    %add3A = arith.addi %mul3A_0, %arg0 : i32
    "tpu.region"() ({
      %run_scoped3A = tpu.sem_alloc : memref<!tpu.dma_semaphore, #tpu.memory_space<semaphore_mem>>
      %dma_start3A_85 = arith.constant 0 : i32
      %dma_start3A_86 = arith.constant 0 : i32
      %dma_start3A_87 = tpu.memref_slice %arg2[%add3A, %dma_start3A_85, %dma_start3A_86] : memref<32x80x128xi32, #tpu.memory_space<hbm>> -> memref<1x80x128xi32, #tpu.memory_space<hbm>>
      %dma_start3A_88 = tpu.memref_squeeze %dma_start3A_87 : memref<1x80x128xi32, #tpu.memory_space<hbm>> -> memref<80x128xi32, #tpu.memory_space<hbm>>
      %dma_start3A_89 = arith.constant 0 : i32
      %dma_start3A_90 = arith.constant 0 : i32
      %dma_start3A_91 = tpu.memref_slice %arg2[%add3A, %dma_start3A_89, %dma_start3A_90] : memref<32x80x128xi32, #tpu.memory_space<hbm>> -> memref<1x80x128xi32, #tpu.memory_space<hbm>>
      %dma_start3A_92 = tpu.memref_squeeze %dma_start3A_91 : memref<1x80x128xi32, #tpu.memory_space<hbm>> -> memref<80x128xi32, #tpu.memory_space<hbm>>
      tpu.enqueue_dma source(%dma_start3A_92 : memref<80x128xi32, #tpu.memory_space<hbm>>) target(%arg6 : memref<80x128xi32, #tpu.memory_space<vmem>>) target_semaphore(%run_scoped3A : memref<!tpu.dma_semaphore, #tpu.memory_space<semaphore_mem>>)
      %dma_wait3A_93 = arith.constant 0 : i32
      %dma_wait3A_94 = arith.constant 0 : i32
      %dma_wait3A_95 = tpu.memref_slice %arg2[%add3A, %dma_wait3A_93, %dma_wait3A_94] : memref<32x80x128xi32, #tpu.memory_space<hbm>> -> memref<1x80x128xi32, #tpu.memory_space<hbm>>
      %dma_wait3A_96 = tpu.memref_squeeze %dma_wait3A_95 : memref<1x80x128xi32, #tpu.memory_space<hbm>> -> memref<80x128xi32, #tpu.memory_space<hbm>>
      %dma_wait3A_97 = arith.constant 0 : i32
      %dma_wait3A_98 = arith.constant 0 : i32
      %dma_wait3A_99 = tpu.memref_slice %arg2[%add3A, %dma_wait3A_97, %dma_wait3A_98] : memref<32x80x128xi32, #tpu.memory_space<hbm>> -> memref<1x80x128xi32, #tpu.memory_space<hbm>>
      %dma_wait3A_100 = tpu.memref_squeeze %dma_wait3A_99 : memref<1x80x128xi32, #tpu.memory_space<hbm>> -> memref<80x128xi32, #tpu.memory_space<hbm>>
      tpu.wait_dma2 semaphore(%run_scoped3A : memref<!tpu.dma_semaphore, #tpu.memory_space<semaphore_mem>>) src(%dma_wait3A_100 : memref<80x128xi32, #tpu.memory_space<hbm>>) dst(%arg6 : memref<80x128xi32, #tpu.memory_space<vmem>>)
      tpu.yield
    }) : () -> ()
    "tpu.region"() ({
      %run_scoped3A = tpu.sem_alloc : memref<!tpu.dma_semaphore, #tpu.memory_space<semaphore_mem>>
      tpu.enqueue_dma source(%arg4 : memref<128x128xf32, #tpu.memory_space<hbm>>) target(%arg7 : memref<128x128xf32, #tpu.memory_space<vmem>>) target_semaphore(%run_scoped3A : memref<!tpu.dma_semaphore, #tpu.memory_space<semaphore_mem>>)
      tpu.wait_dma2 semaphore(%run_scoped3A : memref<!tpu.dma_semaphore, #tpu.memory_space<semaphore_mem>>) src(%arg4 : memref<128x128xf32, #tpu.memory_space<hbm>>) dst(%arg7 : memref<128x128xf32, #tpu.memory_space<vmem>>)
      tpu.yield
    }) : () -> ()
    %mul3A_1 = arith.constant 640 : i32
    %mul3A_2 = arith.muli %arg1, %mul3A_1 : i32
    %add3A_3 = arith.constant 0 : i32
    %add3A_4 = arith.addi %mul3A_2, %add3A_3 : i32
    "tpu.region"() ({
      %run_scoped3A = tpu.sem_alloc : memref<!tpu.dma_semaphore, #tpu.memory_space<semaphore_mem>>
      %dma_start3A_85 = arith.constant 0 : i32
      %dma_start3A_86 = tpu.memref_slice %arg8[%add3A_4, %dma_start3A_85] : memref<10240x128xf32, #tpu.memory_space<vmem_shared>> -> memref<128x128xf32, #tpu.memory_space<vmem_shared>>
      %dma_start3A_87 = arith.constant 0 : i32
      %dma_start3A_88 = tpu.memref_slice %arg8[%add3A_4, %dma_start3A_87] : memref<10240x128xf32, #tpu.memory_space<vmem_shared>> -> memref<128x128xf32, #tpu.memory_space<vmem_shared>>
      tpu.enqueue_dma source(%arg7 : memref<128x128xf32, #tpu.memory_space<vmem>>) target(%dma_start3A_88 : memref<128x128xf32, #tpu.memory_space<vmem_shared>>) target_semaphore(%run_scoped3A : memref<!tpu.dma_semaphore, #tpu.memory_space<semaphore_mem>>)
      %dma_wait3A_89 = arith.constant 0 : i32
      %dma_wait3A_90 = tpu.memref_slice %arg8[%add3A_4, %dma_wait3A_89] : memref<10240x128xf32, #tpu.memory_space<vmem_shared>> -> memref<128x128xf32, #tpu.memory_space<vmem_shared>>
      %dma_wait3A_91 = arith.constant 0 : i32
      %dma_wait3A_92 = tpu.memref_slice %arg8[%add3A_4, %dma_wait3A_91] : memref<10240x128xf32, #tpu.memory_space<vmem_shared>> -> memref<128x128xf32, #tpu.memory_space<vmem_shared>>
      tpu.wait_dma2 semaphore(%run_scoped3A : memref<!tpu.dma_semaphore, #tpu.memory_space<semaphore_mem>>) src(%arg7 : memref<128x128xf32, #tpu.memory_space<vmem>>) dst(%dma_wait3A_92 : memref<128x128xf32, #tpu.memory_space<vmem_shared>>)
      tpu.yield
    }) : () -> ()
    %mul3A_5 = arith.constant 640 : i32
    %mul3A_6 = arith.muli %arg1, %mul3A_5 : i32
    %add3A_7 = arith.constant 128 : i32
    %add3A_8 = arith.addi %mul3A_6, %add3A_7 : i32
    "tpu.region"() ({
      %run_scoped3A = tpu.sem_alloc : memref<!tpu.dma_semaphore, #tpu.memory_space<semaphore_mem>>
      %dma_start3A_85 = arith.constant 0 : i32
      %dma_start3A_86 = tpu.memref_slice %arg8[%add3A_8, %dma_start3A_85] : memref<10240x128xf32, #tpu.memory_space<vmem_shared>> -> memref<128x128xf32, #tpu.memory_space<vmem_shared>>
      %dma_start3A_87 = arith.constant 0 : i32
      %dma_start3A_88 = tpu.memref_slice %arg8[%add3A_8, %dma_start3A_87] : memref<10240x128xf32, #tpu.memory_space<vmem_shared>> -> memref<128x128xf32, #tpu.memory_space<vmem_shared>>
      tpu.enqueue_dma source(%arg7 : memref<128x128xf32, #tpu.memory_space<vmem>>) target(%dma_start3A_88 : memref<128x128xf32, #tpu.memory_space<vmem_shared>>) target_semaphore(%run_scoped3A : memref<!tpu.dma_semaphore, #tpu.memory_space<semaphore_mem>>)
      %dma_wait3A_89 = arith.constant 0 : i32
      %dma_wait3A_90 = tpu.memref_slice %arg8[%add3A_8, %dma_wait3A_89] : memref<10240x128xf32, #tpu.memory_space<vmem_shared>> -> memref<128x128xf32, #tpu.memory_space<vmem_shared>>
      %dma_wait3A_91 = arith.constant 0 : i32
      %dma_wait3A_92 = tpu.memref_slice %arg8[%add3A_8, %dma_wait3A_91] : memref<10240x128xf32, #tpu.memory_space<vmem_shared>> -> memref<128x128xf32, #tpu.memory_space<vmem_shared>>
      tpu.wait_dma2 semaphore(%run_scoped3A : memref<!tpu.dma_semaphore, #tpu.memory_space<semaphore_mem>>) src(%arg7 : memref<128x128xf32, #tpu.memory_space<vmem>>) dst(%dma_wait3A_92 : memref<128x128xf32, #tpu.memory_space<vmem_shared>>)
      tpu.yield
    }) : () -> ()
    %mul3A_9 = arith.constant 640 : i32
    %mul3A_10 = arith.muli %arg1, %mul3A_9 : i32
    %add3A_11 = arith.constant 256 : i32
    %add3A_12 = arith.addi %mul3A_10, %add3A_11 : i32
    "tpu.region"() ({
      %run_scoped3A = tpu.sem_alloc : memref<!tpu.dma_semaphore, #tpu.memory_space<semaphore_mem>>
      %dma_start3A_85 = arith.constant 0 : i32
      %dma_start3A_86 = tpu.memref_slice %arg8[%add3A_12, %dma_start3A_85] : memref<10240x128xf32, #tpu.memory_space<vmem_shared>> -> memref<128x128xf32, #tpu.memory_space<vmem_shared>>
      %dma_start3A_87 = arith.constant 0 : i32
      %dma_start3A_88 = tpu.memref_slice %arg8[%add3A_12, %dma_start3A_87] : memref<10240x128xf32, #tpu.memory_space<vmem_shared>> -> memref<128x128xf32, #tpu.memory_space<vmem_shared>>
      tpu.enqueue_dma source(%arg7 : memref<128x128xf32, #tpu.memory_space<vmem>>) target(%dma_start3A_88 : memref<128x128xf32, #tpu.memory_space<vmem_shared>>) target_semaphore(%run_scoped3A : memref<!tpu.dma_semaphore, #tpu.memory_space<semaphore_mem>>)
      %dma_wait3A_89 = arith.constant 0 : i32
      %dma_wait3A_90 = tpu.memref_slice %arg8[%add3A_12, %dma_wait3A_89] : memref<10240x128xf32, #tpu.memory_space<vmem_shared>> -> memref<128x128xf32, #tpu.memory_space<vmem_shared>>
      %dma_wait3A_91 = arith.constant 0 : i32
      %dma_wait3A_92 = tpu.memref_slice %arg8[%add3A_12, %dma_wait3A_91] : memref<10240x128xf32, #tpu.memory_space<vmem_shared>> -> memref<128x128xf32, #tpu.memory_space<vmem_shared>>
      tpu.wait_dma2 semaphore(%run_scoped3A : memref<!tpu.dma_semaphore, #tpu.memory_space<semaphore_mem>>) src(%arg7 : memref<128x128xf32, #tpu.memory_space<vmem>>) dst(%dma_wait3A_92 : memref<128x128xf32, #tpu.memory_space<vmem_shared>>)
      tpu.yield
    }) : () -> ()
    %mul3A_13 = arith.constant 640 : i32
    %mul3A_14 = arith.muli %arg1, %mul3A_13 : i32
    %add3A_15 = arith.constant 384 : i32
    %add3A_16 = arith.addi %mul3A_14, %add3A_15 : i32
    "tpu.region"() ({
      %run_scoped3A = tpu.sem_alloc : memref<!tpu.dma_semaphore, #tpu.memory_space<semaphore_mem>>
      %dma_start3A_85 = arith.constant 0 : i32
      %dma_start3A_86 = tpu.memref_slice %arg8[%add3A_16, %dma_start3A_85] : memref<10240x128xf32, #tpu.memory_space<vmem_shared>> -> memref<128x128xf32, #tpu.memory_space<vmem_shared>>
      %dma_start3A_87 = arith.constant 0 : i32
      %dma_start3A_88 = tpu.memref_slice %arg8[%add3A_16, %dma_start3A_87] : memref<10240x128xf32, #tpu.memory_space<vmem_shared>> -> memref<128x128xf32, #tpu.memory_space<vmem_shared>>
      tpu.enqueue_dma source(%arg7 : memref<128x128xf32, #tpu.memory_space<vmem>>) target(%dma_start3A_88 : memref<128x128xf32, #tpu.memory_space<vmem_shared>>) target_semaphore(%run_scoped3A : memref<!tpu.dma_semaphore, #tpu.memory_space<semaphore_mem>>)
      %dma_wait3A_89 = arith.constant 0 : i32
      %dma_wait3A_90 = tpu.memref_slice %arg8[%add3A_16, %dma_wait3A_89] : memref<10240x128xf32, #tpu.memory_space<vmem_shared>> -> memref<128x128xf32, #tpu.memory_space<vmem_shared>>
      %dma_wait3A_91 = arith.constant 0 : i32
      %dma_wait3A_92 = tpu.memref_slice %arg8[%add3A_16, %dma_wait3A_91] : memref<10240x128xf32, #tpu.memory_space<vmem_shared>> -> memref<128x128xf32, #tpu.memory_space<vmem_shared>>
      tpu.wait_dma2 semaphore(%run_scoped3A : memref<!tpu.dma_semaphore, #tpu.memory_space<semaphore_mem>>) src(%arg7 : memref<128x128xf32, #tpu.memory_space<vmem>>) dst(%dma_wait3A_92 : memref<128x128xf32, #tpu.memory_space<vmem_shared>>)
      tpu.yield
    }) : () -> ()
    %mul3A_17 = arith.constant 640 : i32
    %mul3A_18 = arith.muli %arg1, %mul3A_17 : i32
    %add3A_19 = arith.constant 512 : i32
    %add3A_20 = arith.addi %mul3A_18, %add3A_19 : i32
    "tpu.region"() ({
      %run_scoped3A = tpu.sem_alloc : memref<!tpu.dma_semaphore, #tpu.memory_space<semaphore_mem>>
      %dma_start3A_85 = arith.constant 0 : i32
      %dma_start3A_86 = tpu.memref_slice %arg8[%add3A_20, %dma_start3A_85] : memref<10240x128xf32, #tpu.memory_space<vmem_shared>> -> memref<128x128xf32, #tpu.memory_space<vmem_shared>>
      %dma_start3A_87 = arith.constant 0 : i32
      %dma_start3A_88 = tpu.memref_slice %arg8[%add3A_20, %dma_start3A_87] : memref<10240x128xf32, #tpu.memory_space<vmem_shared>> -> memref<128x128xf32, #tpu.memory_space<vmem_shared>>
      tpu.enqueue_dma source(%arg7 : memref<128x128xf32, #tpu.memory_space<vmem>>) target(%dma_start3A_88 : memref<128x128xf32, #tpu.memory_space<vmem_shared>>) target_semaphore(%run_scoped3A : memref<!tpu.dma_semaphore, #tpu.memory_space<semaphore_mem>>)
      %dma_wait3A_89 = arith.constant 0 : i32
      %dma_wait3A_90 = tpu.memref_slice %arg8[%add3A_20, %dma_wait3A_89] : memref<10240x128xf32, #tpu.memory_space<vmem_shared>> -> memref<128x128xf32, #tpu.memory_space<vmem_shared>>
      %dma_wait3A_91 = arith.constant 0 : i32
      %dma_wait3A_92 = tpu.memref_slice %arg8[%add3A_20, %dma_wait3A_91] : memref<10240x128xf32, #tpu.memory_space<vmem_shared>> -> memref<128x128xf32, #tpu.memory_space<vmem_shared>>
      tpu.wait_dma2 semaphore(%run_scoped3A : memref<!tpu.dma_semaphore, #tpu.memory_space<semaphore_mem>>) src(%arg7 : memref<128x128xf32, #tpu.memory_space<vmem>>) dst(%dma_wait3A_92 : memref<128x128xf32, #tpu.memory_space<vmem_shared>>)
      tpu.yield
    }) : () -> ()
    "tpu.region"() ({
      %run_scoped3A = tpu.sem_alloc : memref<!tpu.dma_semaphore, #tpu.memory_space<semaphore_mem>>
      tpu.enqueue_dma source(%arg3 : memref<128x128xf32, #tpu.memory_space<hbm>>) target(%arg7 : memref<128x128xf32, #tpu.memory_space<vmem>>) target_semaphore(%run_scoped3A : memref<!tpu.dma_semaphore, #tpu.memory_space<semaphore_mem>>)
      tpu.wait_dma2 semaphore(%run_scoped3A : memref<!tpu.dma_semaphore, #tpu.memory_space<semaphore_mem>>) src(%arg3 : memref<128x128xf32, #tpu.memory_space<hbm>>) dst(%arg7 : memref<128x128xf32, #tpu.memory_space<vmem>>)
      tpu.yield
    }) : () -> ()
    %barrier3A = arith.constant 0 : index
    tpu.barrier barrier_id(%barrier3A)
    %dma_start3A = arith.constant 0 : i32
    %dma_start3A_21 = arith.constant 0 : i32
    %dma_start3A_22 = tpu.memref_slice %arg6[%dma_start3A, %dma_start3A_21] : memref<80x128xi32, #tpu.memory_space<vmem>> -> memref<1x128xi32, #tpu.memory_space<vmem>>
    %dma_start3A_23 = tpu.memref_squeeze %dma_start3A_22 : memref<1x128xi32, #tpu.memory_space<vmem>> -> memref<128xi32, #tpu.memory_space<vmem>>
    %dma_start3A_24 = arith.constant 0 : i32
    %dma_start3A_25 = arith.constant 0 : i32
    %dma_start3A_26 = tpu.memref_slice %arg8[%dma_start3A_24, %dma_start3A_25] : memref<10240x128xf32, #tpu.memory_space<vmem_shared>> -> memref<10240x128xf32, #tpu.memory_space<vmem_shared>>
    tpu.enqueue_indirect_dma source(%arg7 : memref<128x128xf32, #tpu.memory_space<vmem>>) target(%dma_start3A_26 : memref<10240x128xf32, #tpu.memory_space<vmem_shared>>) offsets(%dma_start3A_23 : memref<128xi32, #tpu.memory_space<vmem>>) semaphore(%arg9 : memref<!tpu.dma_semaphore, #tpu.memory_space<semaphore_mem>>) {add = true}
    %dma_start3A_27 = arith.constant 1 : i32
    %dma_start3A_28 = arith.constant 0 : i32
    %dma_start3A_29 = tpu.memref_slice %arg6[%dma_start3A_27, %dma_start3A_28] : memref<80x128xi32, #tpu.memory_space<vmem>> -> memref<1x128xi32, #tpu.memory_space<vmem>>
    %dma_start3A_30 = tpu.memref_squeeze %dma_start3A_29 : memref<1x128xi32, #tpu.memory_space<vmem>> -> memref<128xi32, #tpu.memory_space<vmem>>
    %dma_start3A_31 = arith.constant 0 : i32
    %dma_start3A_32 = arith.constant 0 : i32
    %dma_start3A_33 = tpu.memref_slice %arg8[%dma_start3A_31, %dma_start3A_32] : memref<10240x128xf32, #tpu.memory_space<vmem_shared>> -> memref<10240x128xf32, #tpu.memory_space<vmem_shared>>
    tpu.enqueue_indirect_dma source(%arg7 : memref<128x128xf32, #tpu.memory_space<vmem>>) target(%dma_start3A_33 : memref<10240x128xf32, #tpu.memory_space<vmem_shared>>) offsets(%dma_start3A_30 : memref<128xi32, #tpu.memory_space<vmem>>) semaphore(%arg9 : memref<!tpu.dma_semaphore, #tpu.memory_space<semaphore_mem>>) {add = true}
    %dma_start3A_34 = arith.constant 2 : i32
    %dma_start3A_35 = arith.constant 0 : i32
    %dma_start3A_36 = tpu.memref_slice %arg6[%dma_start3A_34, %dma_start3A_35] : memref<80x128xi32, #tpu.memory_space<vmem>> -> memref<1x128xi32, #tpu.memory_space<vmem>>
    %dma_start3A_37 = tpu.memref_squeeze %dma_start3A_36 : memref<1x128xi32, #tpu.memory_space<vmem>> -> memref<128xi32, #tpu.memory_space<vmem>>
    %dma_start3A_38 = arith.constant 0 : i32
    %dma_start3A_39 = arith.constant 0 : i32
    %dma_start3A_40 = tpu.memref_slice %arg8[%dma_start3A_38, %dma_start3A_39] : memref<10240x128xf32, #tpu.memory_space<vmem_shared>> -> memref<10240x128xf32, #tpu.memory_space<vmem_shared>>
    tpu.enqueue_indirect_dma source(%arg7 : memref<128x128xf32, #tpu.memory_space<vmem>>) target(%dma_start3A_40 : memref<10240x128xf32, #tpu.memory_space<vmem_shared>>) offsets(%dma_start3A_37 : memref<128xi32, #tpu.memory_space<vmem>>) semaphore(%arg9 : memref<!tpu.dma_semaphore, #tpu.memory_space<semaphore_mem>>) {add = true}
    %dma_start3A_41 = arith.constant 3 : i32
    %dma_start3A_42 = arith.constant 0 : i32
    %dma_start3A_43 = tpu.memref_slice %arg6[%dma_start3A_41, %dma_start3A_42] : memref<80x128xi32, #tpu.memory_space<vmem>> -> memref<1x128xi32, #tpu.memory_space<vmem>>
    %dma_start3A_44 = tpu.memref_squeeze %dma_start3A_43 : memref<1x128xi32, #tpu.memory_space<vmem>> -> memref<128xi32, #tpu.memory_space<vmem>>
    %dma_start3A_45 = arith.constant 0 : i32
    %dma_start3A_46 = arith.constant 0 : i32
    %dma_start3A_47 = tpu.memref_slice %arg8[%dma_start3A_45, %dma_start3A_46] : memref<10240x128xf32, #tpu.memory_space<vmem_shared>> -> memref<10240x128xf32, #tpu.memory_space<vmem_shared>>
    tpu.enqueue_indirect_dma source(%arg7 : memref<128x128xf32, #tpu.memory_space<vmem>>) target(%dma_start3A_47 : memref<10240x128xf32, #tpu.memory_space<vmem_shared>>) offsets(%dma_start3A_44 : memref<128xi32, #tpu.memory_space<vmem>>) semaphore(%arg9 : memref<!tpu.dma_semaphore, #tpu.memory_space<semaphore_mem>>) {add = true}
    %scan3A = arith.constant 0 : i32
    %scan3A_48 = arith.constant 0 : i32
    %scan3A_49 = arith.constant 76 : i32
    %scan3A_50 = arith.addi %scan3A_48, %scan3A_49 : i32
    %scan3A_51 = arith.constant 1 : i32
    scf.for %scan3A_85 = %scan3A_48 to %scan3A_50 step %scan3A_51  : i32 {
      %dma_wait3A_86 = arith.constant 0 : i32
      %dma_wait3A_87 = tpu.memref_slice %arg6[%scan3A_85, %dma_wait3A_86] : memref<80x128xi32, #tpu.memory_space<vmem>> -> memref<1x128xi32, #tpu.memory_space<vmem>>
      %dma_wait3A_88 = tpu.memref_squeeze %dma_wait3A_87 : memref<1x128xi32, #tpu.memory_space<vmem>> -> memref<128xi32, #tpu.memory_space<vmem>>
      %dma_wait3A_89 = arith.constant 0 : i32
      %dma_wait3A_90 = arith.constant 0 : i32
      %dma_wait3A_91 = tpu.memref_slice %arg8[%dma_wait3A_89, %dma_wait3A_90] : memref<10240x128xf32, #tpu.memory_space<vmem_shared>> -> memref<10240x128xf32, #tpu.memory_space<vmem_shared>>
      tpu.wait_indirect_dma semaphore(%arg9 : memref<!tpu.dma_semaphore, #tpu.memory_space<semaphore_mem>>) src(%arg7 : memref<128x128xf32, #tpu.memory_space<vmem>>) dst(%dma_wait3A_91 : memref<10240x128xf32, #tpu.memory_space<vmem_shared>>)
      %add3A_92 = arith.constant 4 : i32
      %add3A_93 = arith.addi %scan3A_85, %add3A_92 : i32
      %dma_start3A_94 = arith.constant 0 : i32
      %dma_start3A_95 = tpu.memref_slice %arg6[%add3A_93, %dma_start3A_94] : memref<80x128xi32, #tpu.memory_space<vmem>> -> memref<1x128xi32, #tpu.memory_space<vmem>>
      %dma_start3A_96 = tpu.memref_squeeze %dma_start3A_95 : memref<1x128xi32, #tpu.memory_space<vmem>> -> memref<128xi32, #tpu.memory_space<vmem>>
      %dma_start3A_97 = arith.constant 0 : i32
      %dma_start3A_98 = arith.constant 0 : i32
      %dma_start3A_99 = tpu.memref_slice %arg8[%dma_start3A_97, %dma_start3A_98] : memref<10240x128xf32, #tpu.memory_space<vmem_shared>> -> memref<10240x128xf32, #tpu.memory_space<vmem_shared>>
      tpu.enqueue_indirect_dma source(%arg7 : memref<128x128xf32, #tpu.memory_space<vmem>>) target(%dma_start3A_99 : memref<10240x128xf32, #tpu.memory_space<vmem_shared>>) offsets(%dma_start3A_96 : memref<128xi32, #tpu.memory_space<vmem>>) semaphore(%arg9 : memref<!tpu.dma_semaphore, #tpu.memory_space<semaphore_mem>>) {add = true}
    }
    %scan3A_52 = arith.constant 76 : i32
    %dma_wait3A = arith.constant 76 : i32
    %dma_wait3A_53 = arith.constant 0 : i32
    %dma_wait3A_54 = tpu.memref_slice %arg6[%dma_wait3A, %dma_wait3A_53] : memref<80x128xi32, #tpu.memory_space<vmem>> -> memref<1x128xi32, #tpu.memory_space<vmem>>
    %dma_wait3A_55 = tpu.memref_squeeze %dma_wait3A_54 : memref<1x128xi32, #tpu.memory_space<vmem>> -> memref<128xi32, #tpu.memory_space<vmem>>
    %dma_wait3A_56 = arith.constant 0 : i32
    %dma_wait3A_57 = arith.constant 0 : i32
    %dma_wait3A_58 = tpu.memref_slice %arg8[%dma_wait3A_56, %dma_wait3A_57] : memref<10240x128xf32, #tpu.memory_space<vmem_shared>> -> memref<10240x128xf32, #tpu.memory_space<vmem_shared>>
    tpu.wait_indirect_dma semaphore(%arg9 : memref<!tpu.dma_semaphore, #tpu.memory_space<semaphore_mem>>) src(%arg7 : memref<128x128xf32, #tpu.memory_space<vmem>>) dst(%dma_wait3A_58 : memref<10240x128xf32, #tpu.memory_space<vmem_shared>>)
    %dma_wait3A_59 = arith.constant 77 : i32
    %dma_wait3A_60 = arith.constant 0 : i32
    %dma_wait3A_61 = tpu.memref_slice %arg6[%dma_wait3A_59, %dma_wait3A_60] : memref<80x128xi32, #tpu.memory_space<vmem>> -> memref<1x128xi32, #tpu.memory_space<vmem>>
    %dma_wait3A_62 = tpu.memref_squeeze %dma_wait3A_61 : memref<1x128xi32, #tpu.memory_space<vmem>> -> memref<128xi32, #tpu.memory_space<vmem>>
    %dma_wait3A_63 = arith.constant 0 : i32
    %dma_wait3A_64 = arith.constant 0 : i32
    %dma_wait3A_65 = tpu.memref_slice %arg8[%dma_wait3A_63, %dma_wait3A_64] : memref<10240x128xf32, #tpu.memory_space<vmem_shared>> -> memref<10240x128xf32, #tpu.memory_space<vmem_shared>>
    tpu.wait_indirect_dma semaphore(%arg9 : memref<!tpu.dma_semaphore, #tpu.memory_space<semaphore_mem>>) src(%arg7 : memref<128x128xf32, #tpu.memory_space<vmem>>) dst(%dma_wait3A_65 : memref<10240x128xf32, #tpu.memory_space<vmem_shared>>)
    %dma_wait3A_66 = arith.constant 78 : i32
    %dma_wait3A_67 = arith.constant 0 : i32
    %dma_wait3A_68 = tpu.memref_slice %arg6[%dma_wait3A_66, %dma_wait3A_67] : memref<80x128xi32, #tpu.memory_space<vmem>> -> memref<1x128xi32, #tpu.memory_space<vmem>>
    %dma_wait3A_69 = tpu.memref_squeeze %dma_wait3A_68 : memref<1x128xi32, #tpu.memory_space<vmem>> -> memref<128xi32, #tpu.memory_space<vmem>>
    %dma_wait3A_70 = arith.constant 0 : i32
    %dma_wait3A_71 = arith.constant 0 : i32
    %dma_wait3A_72 = tpu.memref_slice %arg8[%dma_wait3A_70, %dma_wait3A_71] : memref<10240x128xf32, #tpu.memory_space<vmem_shared>> -> memref<10240x128xf32, #tpu.memory_space<vmem_shared>>
    tpu.wait_indirect_dma semaphore(%arg9 : memref<!tpu.dma_semaphore, #tpu.memory_space<semaphore_mem>>) src(%arg7 : memref<128x128xf32, #tpu.memory_space<vmem>>) dst(%dma_wait3A_72 : memref<10240x128xf32, #tpu.memory_space<vmem_shared>>)
    %dma_wait3A_73 = arith.constant 79 : i32
    %dma_wait3A_74 = arith.constant 0 : i32
    %dma_wait3A_75 = tpu.memref_slice %arg6[%dma_wait3A_73, %dma_wait3A_74] : memref<80x128xi32, #tpu.memory_space<vmem>> -> memref<1x128xi32, #tpu.memory_space<vmem>>
    %dma_wait3A_76 = tpu.memref_squeeze %dma_wait3A_75 : memref<1x128xi32, #tpu.memory_space<vmem>> -> memref<128xi32, #tpu.memory_space<vmem>>
    %dma_wait3A_77 = arith.constant 0 : i32
    %dma_wait3A_78 = arith.constant 0 : i32
    %dma_wait3A_79 = tpu.memref_slice %arg8[%dma_wait3A_77, %dma_wait3A_78] : memref<10240x128xf32, #tpu.memory_space<vmem_shared>> -> memref<10240x128xf32, #tpu.memory_space<vmem_shared>>
    tpu.wait_indirect_dma semaphore(%arg9 : memref<!tpu.dma_semaphore, #tpu.memory_space<semaphore_mem>>) src(%arg7 : memref<128x128xf32, #tpu.memory_space<vmem>>) dst(%dma_wait3A_79 : memref<10240x128xf32, #tpu.memory_space<vmem_shared>>)
    %barrier3A_80 = arith.constant 0 : index
    tpu.barrier barrier_id(%barrier3A_80)
    %mul3A_81 = arith.constant 640 : i32
    %mul3A_82 = arith.muli %arg1, %mul3A_81 : i32
    %mul3A_83 = arith.constant 640 : i32
    %mul3A_84 = arith.muli %arg1, %mul3A_83 : i32
    "tpu.region"() ({
      %run_scoped3A = tpu.sem_alloc : memref<!tpu.dma_semaphore, #tpu.memory_space<semaphore_mem>>
      %dma_start3A_85 = arith.constant 0 : i32
      %dma_start3A_86 = tpu.memref_slice %arg5[%arg0, %mul3A_84, %dma_start3A_85] : memref<2x10240x128xf32, #tpu.memory_space<hbm>> -> memref<1x640x128xf32, #tpu.memory_space<hbm>>
      %dma_start3A_87 = tpu.memref_squeeze %dma_start3A_86 : memref<1x640x128xf32, #tpu.memory_space<hbm>> -> memref<640x128xf32, #tpu.memory_space<hbm>>
      %dma_start3A_88 = arith.constant 0 : i32
      %dma_start3A_89 = tpu.memref_slice %arg8[%mul3A_82, %dma_start3A_88] : memref<10240x128xf32, #tpu.memory_space<vmem_shared>> -> memref<640x128xf32, #tpu.memory_space<vmem_shared>>
      tpu.enqueue_dma source(%dma_start3A_89 : memref<640x128xf32, #tpu.memory_space<vmem_shared>>) target(%dma_start3A_87 : memref<640x128xf32, #tpu.memory_space<hbm>>) target_semaphore(%run_scoped3A : memref<!tpu.dma_semaphore, #tpu.memory_space<semaphore_mem>>)
      %dma_wait3A_90 = arith.constant 0 : i32
      %dma_wait3A_91 = tpu.memref_slice %arg5[%arg0, %mul3A_84, %dma_wait3A_90] : memref<2x10240x128xf32, #tpu.memory_space<hbm>> -> memref<1x640x128xf32, #tpu.memory_space<hbm>>
      %dma_wait3A_92 = tpu.memref_squeeze %dma_wait3A_91 : memref<1x640x128xf32, #tpu.memory_space<hbm>> -> memref<640x128xf32, #tpu.memory_space<hbm>>
      %dma_wait3A_93 = arith.constant 0 : i32
      %dma_wait3A_94 = tpu.memref_slice %arg8[%mul3A_82, %dma_wait3A_93] : memref<10240x128xf32, #tpu.memory_space<vmem_shared>> -> memref<640x128xf32, #tpu.memory_space<vmem_shared>>
      tpu.wait_dma2 semaphore(%run_scoped3A : memref<!tpu.dma_semaphore, #tpu.memory_space<semaphore_mem>>) src(%dma_wait3A_94 : memref<640x128xf32, #tpu.memory_space<vmem_shared>>) dst(%dma_wait3A_92 : memref<640x128xf32, #tpu.memory_space<hbm>>)
      tpu.yield
    }) : () -> ()
    return
  }
}

#map = affine_map<(d0, d1) -> (0, 0)>
#map1 = affine_map<(d0, d1) -> (0, 0, 0)>
module attributes {stable_mosaic.version = 14 : i64} {
  func.func @_sc_edge_accum(%arg0: i32, %arg1: i32, %arg2: memref<10000x128xf32, #tpu.memory_space<hbm>>, %arg3: memref<32x80x128xi32, #tpu.memory_space<hbm>>, %arg4: memref<32x80x128xi32, #tpu.memory_space<hbm>>, %arg5: memref<128x128xf32, #tpu.memory_space<hbm>>, %arg6: memref<2x10240x128xf32, #tpu.memory_space<hbm>>, %arg7: memref<80x128xi32, #tpu.memory_space<vmem>>, %arg8: memref<2x128xi32, #tpu.memory_space<vmem>>, %arg9: memref<128x128xf32, #tpu.memory_space<vmem>>, %arg10: memref<128x128xf32, #tpu.memory_space<vmem>>, %arg11: memref<10240x128xf32, #tpu.memory_space<vmem_shared>>, %arg12: memref<!tpu.dma_semaphore, #tpu.memory_space<semaphore_mem>>, %arg13: memref<!tpu.dma_semaphore, #tpu.memory_space<semaphore_mem>>) attributes {dimension_semantics = [#tpu.dimension_semantics<core_parallel>, #tpu.dimension_semantics<subcore_parallel>], iteration_bounds = array<i64: 2, 16>, scalar_prefetch = 0 : i64, scratch_operands = 7 : i64, tpu.core_type = #tpu.core_type<sc_vector_subcore>, window_params = [{transform_indices = #map}, {transform_indices = #map1}, {transform_indices = #map1}, {transform_indices = #map}, {transform_indices = #map1}]} {
    %mul3A = arith.constant 2 : i32
    %mul3A_0 = arith.muli %arg1, %mul3A : i32
    %add3A = arith.addi %mul3A_0, %arg0 : i32
    "tpu.region"() ({
      %run_scoped3A = tpu.sem_alloc : memref<!tpu.dma_semaphore, #tpu.memory_space<semaphore_mem>>
      %dma_start3A_51 = arith.constant 0 : i32
      %dma_start3A_52 = arith.constant 0 : i32
      %dma_start3A_53 = tpu.memref_slice %arg3[%add3A, %dma_start3A_51, %dma_start3A_52] : memref<32x80x128xi32, #tpu.memory_space<hbm>> -> memref<1x80x128xi32, #tpu.memory_space<hbm>>
      %dma_start3A_54 = tpu.memref_squeeze %dma_start3A_53 : memref<1x80x128xi32, #tpu.memory_space<hbm>> -> memref<80x128xi32, #tpu.memory_space<hbm>>
      %dma_start3A_55 = arith.constant 0 : i32
      %dma_start3A_56 = arith.constant 0 : i32
      %dma_start3A_57 = tpu.memref_slice %arg3[%add3A, %dma_start3A_55, %dma_start3A_56] : memref<32x80x128xi32, #tpu.memory_space<hbm>> -> memref<1x80x128xi32, #tpu.memory_space<hbm>>
      %dma_start3A_58 = tpu.memref_squeeze %dma_start3A_57 : memref<1x80x128xi32, #tpu.memory_space<hbm>> -> memref<80x128xi32, #tpu.memory_space<hbm>>
      tpu.enqueue_dma source(%dma_start3A_58 : memref<80x128xi32, #tpu.memory_space<hbm>>) target(%arg7 : memref<80x128xi32, #tpu.memory_space<vmem>>) target_semaphore(%run_scoped3A : memref<!tpu.dma_semaphore, #tpu.memory_space<semaphore_mem>>)
      %dma_wait3A = arith.constant 0 : i32
      %dma_wait3A_59 = arith.constant 0 : i32
      %dma_wait3A_60 = tpu.memref_slice %arg3[%add3A, %dma_wait3A, %dma_wait3A_59] : memref<32x80x128xi32, #tpu.memory_space<hbm>> -> memref<1x80x128xi32, #tpu.memory_space<hbm>>
      %dma_wait3A_61 = tpu.memref_squeeze %dma_wait3A_60 : memref<1x80x128xi32, #tpu.memory_space<hbm>> -> memref<80x128xi32, #tpu.memory_space<hbm>>
      %dma_wait3A_62 = arith.constant 0 : i32
      %dma_wait3A_63 = arith.constant 0 : i32
      %dma_wait3A_64 = tpu.memref_slice %arg3[%add3A, %dma_wait3A_62, %dma_wait3A_63] : memref<32x80x128xi32, #tpu.memory_space<hbm>> -> memref<1x80x128xi32, #tpu.memory_space<hbm>>
      %dma_wait3A_65 = tpu.memref_squeeze %dma_wait3A_64 : memref<1x80x128xi32, #tpu.memory_space<hbm>> -> memref<80x128xi32, #tpu.memory_space<hbm>>
      tpu.wait_dma2 semaphore(%run_scoped3A : memref<!tpu.dma_semaphore, #tpu.memory_space<semaphore_mem>>) src(%dma_wait3A_65 : memref<80x128xi32, #tpu.memory_space<hbm>>) dst(%arg7 : memref<80x128xi32, #tpu.memory_space<vmem>>)
      tpu.yield
    }) : () -> ()
    "tpu.region"() ({
      %run_scoped3A = tpu.sem_alloc : memref<!tpu.dma_semaphore, #tpu.memory_space<semaphore_mem>>
      tpu.enqueue_dma source(%arg5 : memref<128x128xf32, #tpu.memory_space<hbm>>) target(%arg9 : memref<128x128xf32, #tpu.memory_space<vmem>>) target_semaphore(%run_scoped3A : memref<!tpu.dma_semaphore, #tpu.memory_space<semaphore_mem>>)
      tpu.wait_dma2 semaphore(%run_scoped3A : memref<!tpu.dma_semaphore, #tpu.memory_space<semaphore_mem>>) src(%arg5 : memref<128x128xf32, #tpu.memory_space<hbm>>) dst(%arg9 : memref<128x128xf32, #tpu.memory_space<vmem>>)
      tpu.yield
    }) : () -> ()
    %mul3A_1 = arith.constant 640 : i32
    %mul3A_2 = arith.muli %arg1, %mul3A_1 : i32
    %add3A_3 = arith.constant 0 : i32
    %add3A_4 = arith.addi %mul3A_2, %add3A_3 : i32
    "tpu.region"() ({
      %run_scoped3A = tpu.sem_alloc : memref<!tpu.dma_semaphore, #tpu.memory_space<semaphore_mem>>
      %dma_start3A_51 = arith.constant 0 : i32
      %dma_start3A_52 = tpu.memref_slice %arg11[%add3A_4, %dma_start3A_51] : memref<10240x128xf32, #tpu.memory_space<vmem_shared>> -> memref<128x128xf32, #tpu.memory_space<vmem_shared>>
      %dma_start3A_53 = arith.constant 0 : i32
      %dma_start3A_54 = tpu.memref_slice %arg11[%add3A_4, %dma_start3A_53] : memref<10240x128xf32, #tpu.memory_space<vmem_shared>> -> memref<128x128xf32, #tpu.memory_space<vmem_shared>>
      tpu.enqueue_dma source(%arg9 : memref<128x128xf32, #tpu.memory_space<vmem>>) target(%dma_start3A_54 : memref<128x128xf32, #tpu.memory_space<vmem_shared>>) target_semaphore(%run_scoped3A : memref<!tpu.dma_semaphore, #tpu.memory_space<semaphore_mem>>)
      %dma_wait3A = arith.constant 0 : i32
      %dma_wait3A_55 = tpu.memref_slice %arg11[%add3A_4, %dma_wait3A] : memref<10240x128xf32, #tpu.memory_space<vmem_shared>> -> memref<128x128xf32, #tpu.memory_space<vmem_shared>>
      %dma_wait3A_56 = arith.constant 0 : i32
      %dma_wait3A_57 = tpu.memref_slice %arg11[%add3A_4, %dma_wait3A_56] : memref<10240x128xf32, #tpu.memory_space<vmem_shared>> -> memref<128x128xf32, #tpu.memory_space<vmem_shared>>
      tpu.wait_dma2 semaphore(%run_scoped3A : memref<!tpu.dma_semaphore, #tpu.memory_space<semaphore_mem>>) src(%arg9 : memref<128x128xf32, #tpu.memory_space<vmem>>) dst(%dma_wait3A_57 : memref<128x128xf32, #tpu.memory_space<vmem_shared>>)
      tpu.yield
    }) : () -> ()
    %mul3A_5 = arith.constant 640 : i32
    %mul3A_6 = arith.muli %arg1, %mul3A_5 : i32
    %add3A_7 = arith.constant 128 : i32
    %add3A_8 = arith.addi %mul3A_6, %add3A_7 : i32
    "tpu.region"() ({
      %run_scoped3A = tpu.sem_alloc : memref<!tpu.dma_semaphore, #tpu.memory_space<semaphore_mem>>
      %dma_start3A_51 = arith.constant 0 : i32
      %dma_start3A_52 = tpu.memref_slice %arg11[%add3A_8, %dma_start3A_51] : memref<10240x128xf32, #tpu.memory_space<vmem_shared>> -> memref<128x128xf32, #tpu.memory_space<vmem_shared>>
      %dma_start3A_53 = arith.constant 0 : i32
      %dma_start3A_54 = tpu.memref_slice %arg11[%add3A_8, %dma_start3A_53] : memref<10240x128xf32, #tpu.memory_space<vmem_shared>> -> memref<128x128xf32, #tpu.memory_space<vmem_shared>>
      tpu.enqueue_dma source(%arg9 : memref<128x128xf32, #tpu.memory_space<vmem>>) target(%dma_start3A_54 : memref<128x128xf32, #tpu.memory_space<vmem_shared>>) target_semaphore(%run_scoped3A : memref<!tpu.dma_semaphore, #tpu.memory_space<semaphore_mem>>)
      %dma_wait3A = arith.constant 0 : i32
      %dma_wait3A_55 = tpu.memref_slice %arg11[%add3A_8, %dma_wait3A] : memref<10240x128xf32, #tpu.memory_space<vmem_shared>> -> memref<128x128xf32, #tpu.memory_space<vmem_shared>>
      %dma_wait3A_56 = arith.constant 0 : i32
      %dma_wait3A_57 = tpu.memref_slice %arg11[%add3A_8, %dma_wait3A_56] : memref<10240x128xf32, #tpu.memory_space<vmem_shared>> -> memref<128x128xf32, #tpu.memory_space<vmem_shared>>
      tpu.wait_dma2 semaphore(%run_scoped3A : memref<!tpu.dma_semaphore, #tpu.memory_space<semaphore_mem>>) src(%arg9 : memref<128x128xf32, #tpu.memory_space<vmem>>) dst(%dma_wait3A_57 : memref<128x128xf32, #tpu.memory_space<vmem_shared>>)
      tpu.yield
    }) : () -> ()
    %mul3A_9 = arith.constant 640 : i32
    %mul3A_10 = arith.muli %arg1, %mul3A_9 : i32
    %add3A_11 = arith.constant 256 : i32
    %add3A_12 = arith.addi %mul3A_10, %add3A_11 : i32
    "tpu.region"() ({
      %run_scoped3A = tpu.sem_alloc : memref<!tpu.dma_semaphore, #tpu.memory_space<semaphore_mem>>
      %dma_start3A_51 = arith.constant 0 : i32
      %dma_start3A_52 = tpu.memref_slice %arg11[%add3A_12, %dma_start3A_51] : memref<10240x128xf32, #tpu.memory_space<vmem_shared>> -> memref<128x128xf32, #tpu.memory_space<vmem_shared>>
      %dma_start3A_53 = arith.constant 0 : i32
      %dma_start3A_54 = tpu.memref_slice %arg11[%add3A_12, %dma_start3A_53] : memref<10240x128xf32, #tpu.memory_space<vmem_shared>> -> memref<128x128xf32, #tpu.memory_space<vmem_shared>>
      tpu.enqueue_dma source(%arg9 : memref<128x128xf32, #tpu.memory_space<vmem>>) target(%dma_start3A_54 : memref<128x128xf32, #tpu.memory_space<vmem_shared>>) target_semaphore(%run_scoped3A : memref<!tpu.dma_semaphore, #tpu.memory_space<semaphore_mem>>)
      %dma_wait3A = arith.constant 0 : i32
      %dma_wait3A_55 = tpu.memref_slice %arg11[%add3A_12, %dma_wait3A] : memref<10240x128xf32, #tpu.memory_space<vmem_shared>> -> memref<128x128xf32, #tpu.memory_space<vmem_shared>>
      %dma_wait3A_56 = arith.constant 0 : i32
      %dma_wait3A_57 = tpu.memref_slice %arg11[%add3A_12, %dma_wait3A_56] : memref<10240x128xf32, #tpu.memory_space<vmem_shared>> -> memref<128x128xf32, #tpu.memory_space<vmem_shared>>
      tpu.wait_dma2 semaphore(%run_scoped3A : memref<!tpu.dma_semaphore, #tpu.memory_space<semaphore_mem>>) src(%arg9 : memref<128x128xf32, #tpu.memory_space<vmem>>) dst(%dma_wait3A_57 : memref<128x128xf32, #tpu.memory_space<vmem_shared>>)
      tpu.yield
    }) : () -> ()
    %mul3A_13 = arith.constant 640 : i32
    %mul3A_14 = arith.muli %arg1, %mul3A_13 : i32
    %add3A_15 = arith.constant 384 : i32
    %add3A_16 = arith.addi %mul3A_14, %add3A_15 : i32
    "tpu.region"() ({
      %run_scoped3A = tpu.sem_alloc : memref<!tpu.dma_semaphore, #tpu.memory_space<semaphore_mem>>
      %dma_start3A_51 = arith.constant 0 : i32
      %dma_start3A_52 = tpu.memref_slice %arg11[%add3A_16, %dma_start3A_51] : memref<10240x128xf32, #tpu.memory_space<vmem_shared>> -> memref<128x128xf32, #tpu.memory_space<vmem_shared>>
      %dma_start3A_53 = arith.constant 0 : i32
      %dma_start3A_54 = tpu.memref_slice %arg11[%add3A_16, %dma_start3A_53] : memref<10240x128xf32, #tpu.memory_space<vmem_shared>> -> memref<128x128xf32, #tpu.memory_space<vmem_shared>>
      tpu.enqueue_dma source(%arg9 : memref<128x128xf32, #tpu.memory_space<vmem>>) target(%dma_start3A_54 : memref<128x128xf32, #tpu.memory_space<vmem_shared>>) target_semaphore(%run_scoped3A : memref<!tpu.dma_semaphore, #tpu.memory_space<semaphore_mem>>)
      %dma_wait3A = arith.constant 0 : i32
      %dma_wait3A_55 = tpu.memref_slice %arg11[%add3A_16, %dma_wait3A] : memref<10240x128xf32, #tpu.memory_space<vmem_shared>> -> memref<128x128xf32, #tpu.memory_space<vmem_shared>>
      %dma_wait3A_56 = arith.constant 0 : i32
      %dma_wait3A_57 = tpu.memref_slice %arg11[%add3A_16, %dma_wait3A_56] : memref<10240x128xf32, #tpu.memory_space<vmem_shared>> -> memref<128x128xf32, #tpu.memory_space<vmem_shared>>
      tpu.wait_dma2 semaphore(%run_scoped3A : memref<!tpu.dma_semaphore, #tpu.memory_space<semaphore_mem>>) src(%arg9 : memref<128x128xf32, #tpu.memory_space<vmem>>) dst(%dma_wait3A_57 : memref<128x128xf32, #tpu.memory_space<vmem_shared>>)
      tpu.yield
    }) : () -> ()
    %mul3A_17 = arith.constant 640 : i32
    %mul3A_18 = arith.muli %arg1, %mul3A_17 : i32
    %add3A_19 = arith.constant 512 : i32
    %add3A_20 = arith.addi %mul3A_18, %add3A_19 : i32
    "tpu.region"() ({
      %run_scoped3A = tpu.sem_alloc : memref<!tpu.dma_semaphore, #tpu.memory_space<semaphore_mem>>
      %dma_start3A_51 = arith.constant 0 : i32
      %dma_start3A_52 = tpu.memref_slice %arg11[%add3A_20, %dma_start3A_51] : memref<10240x128xf32, #tpu.memory_space<vmem_shared>> -> memref<128x128xf32, #tpu.memory_space<vmem_shared>>
      %dma_start3A_53 = arith.constant 0 : i32
      %dma_start3A_54 = tpu.memref_slice %arg11[%add3A_20, %dma_start3A_53] : memref<10240x128xf32, #tpu.memory_space<vmem_shared>> -> memref<128x128xf32, #tpu.memory_space<vmem_shared>>
      tpu.enqueue_dma source(%arg9 : memref<128x128xf32, #tpu.memory_space<vmem>>) target(%dma_start3A_54 : memref<128x128xf32, #tpu.memory_space<vmem_shared>>) target_semaphore(%run_scoped3A : memref<!tpu.dma_semaphore, #tpu.memory_space<semaphore_mem>>)
      %dma_wait3A = arith.constant 0 : i32
      %dma_wait3A_55 = tpu.memref_slice %arg11[%add3A_20, %dma_wait3A] : memref<10240x128xf32, #tpu.memory_space<vmem_shared>> -> memref<128x128xf32, #tpu.memory_space<vmem_shared>>
      %dma_wait3A_56 = arith.constant 0 : i32
      %dma_wait3A_57 = tpu.memref_slice %arg11[%add3A_20, %dma_wait3A_56] : memref<10240x128xf32, #tpu.memory_space<vmem_shared>> -> memref<128x128xf32, #tpu.memory_space<vmem_shared>>
      tpu.wait_dma2 semaphore(%run_scoped3A : memref<!tpu.dma_semaphore, #tpu.memory_space<semaphore_mem>>) src(%arg9 : memref<128x128xf32, #tpu.memory_space<vmem>>) dst(%dma_wait3A_57 : memref<128x128xf32, #tpu.memory_space<vmem_shared>>)
      tpu.yield
    }) : () -> ()
    %barrier3A = arith.constant 0 : index
    tpu.barrier barrier_id(%barrier3A)
    %dma_start3A = arith.constant 0 : i32
    %dma_start3A_21 = arith.constant 0 : i32
    %dma_start3A_22 = tpu.memref_slice %arg7[%dma_start3A, %dma_start3A_21] : memref<80x128xi32, #tpu.memory_space<vmem>> -> memref<1x128xi32, #tpu.memory_space<vmem>>
    %dma_start3A_23 = tpu.memref_squeeze %dma_start3A_22 : memref<1x128xi32, #tpu.memory_space<vmem>> -> memref<128xi32, #tpu.memory_space<vmem>>
    %dma_start3A_24 = arith.constant 0 : i32
    %dma_start3A_25 = arith.constant 0 : i32
    %dma_start3A_26 = tpu.memref_slice %arg2[%dma_start3A_24, %dma_start3A_25] : memref<10000x128xf32, #tpu.memory_space<hbm>> -> memref<10000x128xf32, #tpu.memory_space<hbm>>
    tpu.enqueue_indirect_dma source(%dma_start3A_26 : memref<10000x128xf32, #tpu.memory_space<hbm>>) target(%arg9 : memref<128x128xf32, #tpu.memory_space<vmem>>) offsets(%dma_start3A_23 : memref<128xi32, #tpu.memory_space<vmem>>) semaphore(%arg12 : memref<!tpu.dma_semaphore, #tpu.memory_space<semaphore_mem>>)
    %dma_start3A_27 = arith.constant 0 : i32
    %dma_start3A_28 = arith.constant 0 : i32
    %dma_start3A_29 = arith.constant 0 : i32
    %dma_start3A_30 = tpu.memref_slice %arg8[%dma_start3A_28, %dma_start3A_29] : memref<2x128xi32, #tpu.memory_space<vmem>> -> memref<1x128xi32, #tpu.memory_space<vmem>>
    %dma_start3A_31 = tpu.memref_squeeze %dma_start3A_30 : memref<1x128xi32, #tpu.memory_space<vmem>> -> memref<128xi32, #tpu.memory_space<vmem>>
    %dma_start3A_32 = arith.constant 0 : i32
    %dma_start3A_33 = tpu.memref_slice %arg4[%add3A, %dma_start3A_27, %dma_start3A_32] : memref<32x80x128xi32, #tpu.memory_space<hbm>> -> memref<1x1x128xi32, #tpu.memory_space<hbm>>
    %dma_start3A_34 = tpu.memref_squeeze %dma_start3A_33 : memref<1x1x128xi32, #tpu.memory_space<hbm>> -> memref<128xi32, #tpu.memory_space<hbm>>
    %dma_start3A_35 = arith.constant 0 : i32
    %dma_start3A_36 = tpu.memref_slice %arg8[%dma_start3A_28, %dma_start3A_35] : memref<2x128xi32, #tpu.memory_space<vmem>> -> memref<1x128xi32, #tpu.memory_space<vmem>>
    %dma_start3A_37 = tpu.memref_squeeze %dma_start3A_36 : memref<1x128xi32, #tpu.memory_space<vmem>> -> memref<128xi32, #tpu.memory_space<vmem>>
    %dma_start3A_38 = arith.constant 0 : i32
    %dma_start3A_39 = tpu.memref_slice %arg4[%add3A, %dma_start3A_27, %dma_start3A_38] : memref<32x80x128xi32, #tpu.memory_space<hbm>> -> memref<1x1x128xi32, #tpu.memory_space<hbm>>
    %dma_start3A_40 = tpu.memref_squeeze %dma_start3A_39 : memref<1x1x128xi32, #tpu.memory_space<hbm>> -> memref<128xi32, #tpu.memory_space<hbm>>
    tpu.enqueue_dma source(%dma_start3A_40 : memref<128xi32, #tpu.memory_space<hbm>>) target(%dma_start3A_37 : memref<128xi32, #tpu.memory_space<vmem>>) target_semaphore(%arg13 : memref<!tpu.dma_semaphore, #tpu.memory_space<semaphore_mem>>)
    %scan3A = arith.constant 0 : i32
    %scan3A_41 = arith.constant 0 : i32
    %scan3A_42 = arith.constant 40 : i32
    %scan3A_43 = arith.addi %scan3A_41, %scan3A_42 : i32
    %scan3A_44 = arith.constant 1 : i32
    scf.for %scan3A_51 = %scan3A_41 to %scan3A_43 step %scan3A_44  : i32 {
      %mul3A_52 = arith.constant 2 : i32
      %mul3A_53 = arith.muli %scan3A_51, %mul3A_52 : i32
      %add3A_54 = arith.constant 0 : i32
      %add3A_55 = arith.addi %mul3A_53, %add3A_54 : i32
      %add3A_56 = arith.constant 1 : i32
      %add3A_57 = arith.addi %add3A_55, %add3A_56 : i32
      %dma_wait3A = arith.constant 0 : i32
      %dma_wait3A_58 = tpu.memref_slice %arg7[%add3A_55, %dma_wait3A] : memref<80x128xi32, #tpu.memory_space<vmem>> -> memref<1x128xi32, #tpu.memory_space<vmem>>
      %dma_wait3A_59 = tpu.memref_squeeze %dma_wait3A_58 : memref<1x128xi32, #tpu.memory_space<vmem>> -> memref<128xi32, #tpu.memory_space<vmem>>
      %dma_wait3A_60 = arith.constant 0 : i32
      %dma_wait3A_61 = arith.constant 0 : i32
      %dma_wait3A_62 = tpu.memref_slice %arg2[%dma_wait3A_60, %dma_wait3A_61] : memref<10000x128xf32, #tpu.memory_space<hbm>> -> memref<10000x128xf32, #tpu.memory_space<hbm>>
      tpu.wait_indirect_dma semaphore(%arg12 : memref<!tpu.dma_semaphore, #tpu.memory_space<semaphore_mem>>) src(%dma_wait3A_62 : memref<10000x128xf32, #tpu.memory_space<hbm>>) dst(%arg9 : memref<128x128xf32, #tpu.memory_space<vmem>>)
      %lt3A = arith.constant 80 : i32
      %lt3A_63 = arith.cmpi slt, %add3A_57, %lt3A : i32
      %convert_element_type3A = arith.extui %lt3A_63 : i1 to i32
      %cond3A = arith.constant 0 : i32
      %cond3A_64 = arith.cmpi ne, %convert_element_type3A, %cond3A : i32
      scf.if %cond3A_64 {
        %dma_start3A_109 = arith.constant 0 : i32
        %dma_start3A_110 = tpu.memref_slice %arg7[%add3A_57, %dma_start3A_109] : memref<80x128xi32, #tpu.memory_space<vmem>> -> memref<1x128xi32, #tpu.memory_space<vmem>>
        %dma_start3A_111 = tpu.memref_squeeze %dma_start3A_110 : memref<1x128xi32, #tpu.memory_space<vmem>> -> memref<128xi32, #tpu.memory_space<vmem>>
        %dma_start3A_112 = arith.constant 0 : i32
        %dma_start3A_113 = arith.constant 0 : i32
        %dma_start3A_114 = tpu.memref_slice %arg2[%dma_start3A_112, %dma_start3A_113] : memref<10000x128xf32, #tpu.memory_space<hbm>> -> memref<10000x128xf32, #tpu.memory_space<hbm>>
        tpu.enqueue_indirect_dma source(%dma_start3A_114 : memref<10000x128xf32, #tpu.memory_space<hbm>>) target(%arg10 : memref<128x128xf32, #tpu.memory_space<vmem>>) offsets(%dma_start3A_111 : memref<128xi32, #tpu.memory_space<vmem>>) semaphore(%arg12 : memref<!tpu.dma_semaphore, #tpu.memory_space<semaphore_mem>>)
        %dma_start3A_115 = arith.constant 1 : i32
        %dma_start3A_116 = arith.constant 0 : i32
        %dma_start3A_117 = tpu.memref_slice %arg8[%dma_start3A_115, %dma_start3A_116] : memref<2x128xi32, #tpu.memory_space<vmem>> -> memref<1x128xi32, #tpu.memory_space<vmem>>
        %dma_start3A_118 = tpu.memref_squeeze %dma_start3A_117 : memref<1x128xi32, #tpu.memory_space<vmem>> -> memref<128xi32, #tpu.memory_space<vmem>>
        %dma_start3A_119 = arith.constant 0 : i32
        %dma_start3A_120 = tpu.memref_slice %arg4[%add3A, %add3A_57, %dma_start3A_119] : memref<32x80x128xi32, #tpu.memory_space<hbm>> -> memref<1x1x128xi32, #tpu.memory_space<hbm>>
        %dma_start3A_121 = tpu.memref_squeeze %dma_start3A_120 : memref<1x1x128xi32, #tpu.memory_space<hbm>> -> memref<128xi32, #tpu.memory_space<hbm>>
        %dma_start3A_122 = arith.constant 0 : i32
        %dma_start3A_123 = tpu.memref_slice %arg8[%dma_start3A_115, %dma_start3A_122] : memref<2x128xi32, #tpu.memory_space<vmem>> -> memref<1x128xi32, #tpu.memory_space<vmem>>
        %dma_start3A_124 = tpu.memref_squeeze %dma_start3A_123 : memref<1x128xi32, #tpu.memory_space<vmem>> -> memref<128xi32, #tpu.memory_space<vmem>>
        %dma_start3A_125 = arith.constant 0 : i32
        %dma_start3A_126 = tpu.memref_slice %arg4[%add3A, %add3A_57, %dma_start3A_125] : memref<32x80x128xi32, #tpu.memory_space<hbm>> -> memref<1x1x128xi32, #tpu.memory_space<hbm>>
        %dma_start3A_127 = tpu.memref_squeeze %dma_start3A_126 : memref<1x1x128xi32, #tpu.memory_space<hbm>> -> memref<128xi32, #tpu.memory_space<hbm>>
        tpu.enqueue_dma source(%dma_start3A_127 : memref<128xi32, #tpu.memory_space<hbm>>) target(%dma_start3A_124 : memref<128xi32, #tpu.memory_space<vmem>>) target_semaphore(%arg13 : memref<!tpu.dma_semaphore, #tpu.memory_space<semaphore_mem>>)
      } else {
      }
      %dma_wait3A_65 = arith.constant 0 : i32
      %dma_wait3A_66 = arith.constant 0 : i32
      %dma_wait3A_67 = tpu.memref_slice %arg8[%dma_wait3A_65, %dma_wait3A_66] : memref<2x128xi32, #tpu.memory_space<vmem>> -> memref<1x128xi32, #tpu.memory_space<vmem>>
      %dma_wait3A_68 = tpu.memref_squeeze %dma_wait3A_67 : memref<1x128xi32, #tpu.memory_space<vmem>> -> memref<128xi32, #tpu.memory_space<vmem>>
      %dma_wait3A_69 = arith.constant 0 : i32
      %dma_wait3A_70 = tpu.memref_slice %arg4[%add3A, %add3A_55, %dma_wait3A_69] : memref<32x80x128xi32, #tpu.memory_space<hbm>> -> memref<1x1x128xi32, #tpu.memory_space<hbm>>
      %dma_wait3A_71 = tpu.memref_squeeze %dma_wait3A_70 : memref<1x1x128xi32, #tpu.memory_space<hbm>> -> memref<128xi32, #tpu.memory_space<hbm>>
      %dma_wait3A_72 = arith.constant 0 : i32
      %dma_wait3A_73 = tpu.memref_slice %arg8[%dma_wait3A_65, %dma_wait3A_72] : memref<2x128xi32, #tpu.memory_space<vmem>> -> memref<1x128xi32, #tpu.memory_space<vmem>>
      %dma_wait3A_74 = tpu.memref_squeeze %dma_wait3A_73 : memref<1x128xi32, #tpu.memory_space<vmem>> -> memref<128xi32, #tpu.memory_space<vmem>>
      %dma_wait3A_75 = arith.constant 0 : i32
      %dma_wait3A_76 = tpu.memref_slice %arg4[%add3A, %add3A_55, %dma_wait3A_75] : memref<32x80x128xi32, #tpu.memory_space<hbm>> -> memref<1x1x128xi32, #tpu.memory_space<hbm>>
      %dma_wait3A_77 = tpu.memref_squeeze %dma_wait3A_76 : memref<1x1x128xi32, #tpu.memory_space<hbm>> -> memref<128xi32, #tpu.memory_space<hbm>>
      tpu.wait_dma2 semaphore(%arg13 : memref<!tpu.dma_semaphore, #tpu.memory_space<semaphore_mem>>) src(%dma_wait3A_77 : memref<128xi32, #tpu.memory_space<hbm>>) dst(%dma_wait3A_74 : memref<128xi32, #tpu.memory_space<vmem>>)
      %run_scoped3A = arith.constant 0 : i32
      "tpu.region"() ({
        %run_scoped3A_109 = tpu.sem_alloc : memref<!tpu.dma_semaphore, #tpu.memory_space<semaphore_mem>>
        %dma_start3A_110 = arith.constant 0 : i32
        %dma_start3A_111 = tpu.memref_slice %arg8[%run_scoped3A, %dma_start3A_110] : memref<2x128xi32, #tpu.memory_space<vmem>> -> memref<1x128xi32, #tpu.memory_space<vmem>>
        %dma_start3A_112 = tpu.memref_squeeze %dma_start3A_111 : memref<1x128xi32, #tpu.memory_space<vmem>> -> memref<128xi32, #tpu.memory_space<vmem>>
        %dma_start3A_113 = arith.constant 0 : i32
        %dma_start3A_114 = arith.constant 0 : i32
        %dma_start3A_115 = tpu.memref_slice %arg11[%dma_start3A_113, %dma_start3A_114] : memref<10240x128xf32, #tpu.memory_space<vmem_shared>> -> memref<10240x128xf32, #tpu.memory_space<vmem_shared>>
        tpu.enqueue_indirect_dma source(%arg9 : memref<128x128xf32, #tpu.memory_space<vmem>>) target(%dma_start3A_115 : memref<10240x128xf32, #tpu.memory_space<vmem_shared>>) offsets(%dma_start3A_112 : memref<128xi32, #tpu.memory_space<vmem>>) semaphore(%run_scoped3A_109 : memref<!tpu.dma_semaphore, #tpu.memory_space<semaphore_mem>>) {add = true}
        %dma_wait3A_116 = arith.constant 0 : i32
        %dma_wait3A_117 = tpu.memref_slice %arg8[%run_scoped3A, %dma_wait3A_116] : memref<2x128xi32, #tpu.memory_space<vmem>> -> memref<1x128xi32, #tpu.memory_space<vmem>>
        %dma_wait3A_118 = tpu.memref_squeeze %dma_wait3A_117 : memref<1x128xi32, #tpu.memory_space<vmem>> -> memref<128xi32, #tpu.memory_space<vmem>>
        %dma_wait3A_119 = arith.constant 0 : i32
        %dma_wait3A_120 = arith.constant 0 : i32
        %dma_wait3A_121 = tpu.memref_slice %arg11[%dma_wait3A_119, %dma_wait3A_120] : memref<10240x128xf32, #tpu.memory_space<vmem_shared>> -> memref<10240x128xf32, #tpu.memory_space<vmem_shared>>
        tpu.wait_indirect_dma semaphore(%run_scoped3A_109 : memref<!tpu.dma_semaphore, #tpu.memory_space<semaphore_mem>>) src(%arg9 : memref<128x128xf32, #tpu.memory_space<vmem>>) dst(%dma_wait3A_121 : memref<10240x128xf32, #tpu.memory_space<vmem_shared>>)
        tpu.yield
      }) : () -> ()
      %mul3A_78 = arith.constant 2 : i32
      %mul3A_79 = arith.muli %scan3A_51, %mul3A_78 : i32
      %add3A_80 = arith.constant 1 : i32
      %add3A_81 = arith.addi %mul3A_79, %add3A_80 : i32
      %add3A_82 = arith.constant 1 : i32
      %add3A_83 = arith.addi %add3A_81, %add3A_82 : i32
      %dma_wait3A_84 = arith.constant 0 : i32
      %dma_wait3A_85 = tpu.memref_slice %arg7[%add3A_81, %dma_wait3A_84] : memref<80x128xi32, #tpu.memory_space<vmem>> -> memref<1x128xi32, #tpu.memory_space<vmem>>
      %dma_wait3A_86 = tpu.memref_squeeze %dma_wait3A_85 : memref<1x128xi32, #tpu.memory_space<vmem>> -> memref<128xi32, #tpu.memory_space<vmem>>
      %dma_wait3A_87 = arith.constant 0 : i32
      %dma_wait3A_88 = arith.constant 0 : i32
      %dma_wait3A_89 = tpu.memref_slice %arg2[%dma_wait3A_87, %dma_wait3A_88] : memref<10000x128xf32, #tpu.memory_space<hbm>> -> memref<10000x128xf32, #tpu.memory_space<hbm>>
      tpu.wait_indirect_dma semaphore(%arg12 : memref<!tpu.dma_semaphore, #tpu.memory_space<semaphore_mem>>) src(%dma_wait3A_89 : memref<10000x128xf32, #tpu.memory_space<hbm>>) dst(%arg10 : memref<128x128xf32, #tpu.memory_space<vmem>>)
      %lt3A_90 = arith.constant 80 : i32
      %lt3A_91 = arith.cmpi slt, %add3A_83, %lt3A_90 : i32
      %convert_element_type3A_92 = arith.extui %lt3A_91 : i1 to i32
      %cond3A_93 = arith.constant 0 : i32
      %cond3A_94 = arith.cmpi ne, %convert_element_type3A_92, %cond3A_93 : i32
      scf.if %cond3A_94 {
        %dma_start3A_109 = arith.constant 0 : i32
        %dma_start3A_110 = tpu.memref_slice %arg7[%add3A_83, %dma_start3A_109] : memref<80x128xi32, #tpu.memory_space<vmem>> -> memref<1x128xi32, #tpu.memory_space<vmem>>
        %dma_start3A_111 = tpu.memref_squeeze %dma_start3A_110 : memref<1x128xi32, #tpu.memory_space<vmem>> -> memref<128xi32, #tpu.memory_space<vmem>>
        %dma_start3A_112 = arith.constant 0 : i32
        %dma_start3A_113 = arith.constant 0 : i32
        %dma_start3A_114 = tpu.memref_slice %arg2[%dma_start3A_112, %dma_start3A_113] : memref<10000x128xf32, #tpu.memory_space<hbm>> -> memref<10000x128xf32, #tpu.memory_space<hbm>>
        tpu.enqueue_indirect_dma source(%dma_start3A_114 : memref<10000x128xf32, #tpu.memory_space<hbm>>) target(%arg9 : memref<128x128xf32, #tpu.memory_space<vmem>>) offsets(%dma_start3A_111 : memref<128xi32, #tpu.memory_space<vmem>>) semaphore(%arg12 : memref<!tpu.dma_semaphore, #tpu.memory_space<semaphore_mem>>)
        %dma_start3A_115 = arith.constant 0 : i32
        %dma_start3A_116 = arith.constant 0 : i32
        %dma_start3A_117 = tpu.memref_slice %arg8[%dma_start3A_115, %dma_start3A_116] : memref<2x128xi32, #tpu.memory_space<vmem>> -> memref<1x128xi32, #tpu.memory_space<vmem>>
        %dma_start3A_118 = tpu.memref_squeeze %dma_start3A_117 : memref<1x128xi32, #tpu.memory_space<vmem>> -> memref<128xi32, #tpu.memory_space<vmem>>
        %dma_start3A_119 = arith.constant 0 : i32
        %dma_start3A_120 = tpu.memref_slice %arg4[%add3A, %add3A_83, %dma_start3A_119] : memref<32x80x128xi32, #tpu.memory_space<hbm>> -> memref<1x1x128xi32, #tpu.memory_space<hbm>>
        %dma_start3A_121 = tpu.memref_squeeze %dma_start3A_120 : memref<1x1x128xi32, #tpu.memory_space<hbm>> -> memref<128xi32, #tpu.memory_space<hbm>>
        %dma_start3A_122 = arith.constant 0 : i32
        %dma_start3A_123 = tpu.memref_slice %arg8[%dma_start3A_115, %dma_start3A_122] : memref<2x128xi32, #tpu.memory_space<vmem>> -> memref<1x128xi32, #tpu.memory_space<vmem>>
        %dma_start3A_124 = tpu.memref_squeeze %dma_start3A_123 : memref<1x128xi32, #tpu.memory_space<vmem>> -> memref<128xi32, #tpu.memory_space<vmem>>
        %dma_start3A_125 = arith.constant 0 : i32
        %dma_start3A_126 = tpu.memref_slice %arg4[%add3A, %add3A_83, %dma_start3A_125] : memref<32x80x128xi32, #tpu.memory_space<hbm>> -> memref<1x1x128xi32, #tpu.memory_space<hbm>>
        %dma_start3A_127 = tpu.memref_squeeze %dma_start3A_126 : memref<1x1x128xi32, #tpu.memory_space<hbm>> -> memref<128xi32, #tpu.memory_space<hbm>>
        tpu.enqueue_dma source(%dma_start3A_127 : memref<128xi32, #tpu.memory_space<hbm>>) target(%dma_start3A_124 : memref<128xi32, #tpu.memory_space<vmem>>) target_semaphore(%arg13 : memref<!tpu.dma_semaphore, #tpu.memory_space<semaphore_mem>>)
      } else {
      }
      %dma_wait3A_95 = arith.constant 1 : i32
      %dma_wait3A_96 = arith.constant 0 : i32
      %dma_wait3A_97 = tpu.memref_slice %arg8[%dma_wait3A_95, %dma_wait3A_96] : memref<2x128xi32, #tpu.memory_space<vmem>> -> memref<1x128xi32, #tpu.memory_space<vmem>>
      %dma_wait3A_98 = tpu.memref_squeeze %dma_wait3A_97 : memref<1x128xi32, #tpu.memory_space<vmem>> -> memref<128xi32, #tpu.memory_space<vmem>>
      %dma_wait3A_99 = arith.constant 0 : i32
      %dma_wait3A_100 = tpu.memref_slice %arg4[%add3A, %add3A_81, %dma_wait3A_99] : memref<32x80x128xi32, #tpu.memory_space<hbm>> -> memref<1x1x128xi32, #tpu.memory_space<hbm>>
      %dma_wait3A_101 = tpu.memref_squeeze %dma_wait3A_100 : memref<1x1x128xi32, #tpu.memory_space<hbm>> -> memref<128xi32, #tpu.memory_space<hbm>>
      %dma_wait3A_102 = arith.constant 0 : i32
      %dma_wait3A_103 = tpu.memref_slice %arg8[%dma_wait3A_95, %dma_wait3A_102] : memref<2x128xi32, #tpu.memory_space<vmem>> -> memref<1x128xi32, #tpu.memory_space<vmem>>
      %dma_wait3A_104 = tpu.memref_squeeze %dma_wait3A_103 : memref<1x128xi32, #tpu.memory_space<vmem>> -> memref<128xi32, #tpu.memory_space<vmem>>
      %dma_wait3A_105 = arith.constant 0 : i32
      %dma_wait3A_106 = tpu.memref_slice %arg4[%add3A, %add3A_81, %dma_wait3A_105] : memref<32x80x128xi32, #tpu.memory_space<hbm>> -> memref<1x1x128xi32, #tpu.memory_space<hbm>>
      %dma_wait3A_107 = tpu.memref_squeeze %dma_wait3A_106 : memref<1x1x128xi32, #tpu.memory_space<hbm>> -> memref<128xi32, #tpu.memory_space<hbm>>
      tpu.wait_dma2 semaphore(%arg13 : memref<!tpu.dma_semaphore, #tpu.memory_space<semaphore_mem>>) src(%dma_wait3A_107 : memref<128xi32, #tpu.memory_space<hbm>>) dst(%dma_wait3A_104 : memref<128xi32, #tpu.memory_space<vmem>>)
      %run_scoped3A_108 = arith.constant 1 : i32
      "tpu.region"() ({
        %run_scoped3A_109 = tpu.sem_alloc : memref<!tpu.dma_semaphore, #tpu.memory_space<semaphore_mem>>
        %dma_start3A_110 = arith.constant 0 : i32
        %dma_start3A_111 = tpu.memref_slice %arg8[%run_scoped3A_108, %dma_start3A_110] : memref<2x128xi32, #tpu.memory_space<vmem>> -> memref<1x128xi32, #tpu.memory_space<vmem>>
        %dma_start3A_112 = tpu.memref_squeeze %dma_start3A_111 : memref<1x128xi32, #tpu.memory_space<vmem>> -> memref<128xi32, #tpu.memory_space<vmem>>
        %dma_start3A_113 = arith.constant 0 : i32
        %dma_start3A_114 = arith.constant 0 : i32
        %dma_start3A_115 = tpu.memref_slice %arg11[%dma_start3A_113, %dma_start3A_114] : memref<10240x128xf32, #tpu.memory_space<vmem_shared>> -> memref<10240x128xf32, #tpu.memory_space<vmem_shared>>
        tpu.enqueue_indirect_dma source(%arg10 : memref<128x128xf32, #tpu.memory_space<vmem>>) target(%dma_start3A_115 : memref<10240x128xf32, #tpu.memory_space<vmem_shared>>) offsets(%dma_start3A_112 : memref<128xi32, #tpu.memory_space<vmem>>) semaphore(%run_scoped3A_109 : memref<!tpu.dma_semaphore, #tpu.memory_space<semaphore_mem>>) {add = true}
        %dma_wait3A_116 = arith.constant 0 : i32
        %dma_wait3A_117 = tpu.memref_slice %arg8[%run_scoped3A_108, %dma_wait3A_116] : memref<2x128xi32, #tpu.memory_space<vmem>> -> memref<1x128xi32, #tpu.memory_space<vmem>>
        %dma_wait3A_118 = tpu.memref_squeeze %dma_wait3A_117 : memref<1x128xi32, #tpu.memory_space<vmem>> -> memref<128xi32, #tpu.memory_space<vmem>>
        %dma_wait3A_119 = arith.constant 0 : i32
        %dma_wait3A_120 = arith.constant 0 : i32
        %dma_wait3A_121 = tpu.memref_slice %arg11[%dma_wait3A_119, %dma_wait3A_120] : memref<10240x128xf32, #tpu.memory_space<vmem_shared>> -> memref<10240x128xf32, #tpu.memory_space<vmem_shared>>
        tpu.wait_indirect_dma semaphore(%run_scoped3A_109 : memref<!tpu.dma_semaphore, #tpu.memory_space<semaphore_mem>>) src(%arg10 : memref<128x128xf32, #tpu.memory_space<vmem>>) dst(%dma_wait3A_121 : memref<10240x128xf32, #tpu.memory_space<vmem_shared>>)
        tpu.yield
      }) : () -> ()
    }
    %scan3A_45 = arith.constant 40 : i32
    %barrier3A_46 = arith.constant 0 : index
    tpu.barrier barrier_id(%barrier3A_46)
    %mul3A_47 = arith.constant 640 : i32
    %mul3A_48 = arith.muli %arg1, %mul3A_47 : i32
    %mul3A_49 = arith.constant 640 : i32
    %mul3A_50 = arith.muli %arg1, %mul3A_49 : i32
    "tpu.region"() ({
      %run_scoped3A = tpu.sem_alloc : memref<!tpu.dma_semaphore, #tpu.memory_space<semaphore_mem>>
      %dma_start3A_51 = arith.constant 0 : i32
      %dma_start3A_52 = tpu.memref_slice %arg6[%arg0, %mul3A_50, %dma_start3A_51] : memref<2x10240x128xf32, #tpu.memory_space<hbm>> -> memref<1x640x128xf32, #tpu.memory_space<hbm>>
      %dma_start3A_53 = tpu.memref_squeeze %dma_start3A_52 : memref<1x640x128xf32, #tpu.memory_space<hbm>> -> memref<640x128xf32, #tpu.memory_space<hbm>>
      %dma_start3A_54 = arith.constant 0 : i32
      %dma_start3A_55 = tpu.memref_slice %arg11[%mul3A_48, %dma_start3A_54] : memref<10240x128xf32, #tpu.memory_space<vmem_shared>> -> memref<640x128xf32, #tpu.memory_space<vmem_shared>>
      tpu.enqueue_dma source(%dma_start3A_55 : memref<640x128xf32, #tpu.memory_space<vmem_shared>>) target(%dma_start3A_53 : memref<640x128xf32, #tpu.memory_space<hbm>>) target_semaphore(%run_scoped3A : memref<!tpu.dma_semaphore, #tpu.memory_space<semaphore_mem>>)
      %dma_wait3A = arith.constant 0 : i32
      %dma_wait3A_56 = tpu.memref_slice %arg6[%arg0, %mul3A_50, %dma_wait3A] : memref<2x10240x128xf32, #tpu.memory_space<hbm>> -> memref<1x640x128xf32, #tpu.memory_space<hbm>>
      %dma_wait3A_57 = tpu.memref_squeeze %dma_wait3A_56 : memref<1x640x128xf32, #tpu.memory_space<hbm>> -> memref<640x128xf32, #tpu.memory_space<hbm>>
      %dma_wait3A_58 = arith.constant 0 : i32
      %dma_wait3A_59 = tpu.memref_slice %arg11[%mul3A_48, %dma_wait3A_58] : memref<10240x128xf32, #tpu.memory_space<vmem_shared>> -> memref<640x128xf32, #tpu.memory_space<vmem_shared>>
      tpu.wait_dma2 semaphore(%run_scoped3A : memref<!tpu.dma_semaphore, #tpu.memory_space<semaphore_mem>>) src(%dma_wait3A_59 : memref<640x128xf32, #tpu.memory_space<vmem_shared>>) dst(%dma_wait3A_57 : memref<640x128xf32, #tpu.memory_space<hbm>>)
      tpu.yield
    }) : () -> ()
    return
  }
}

module attributes {stable_mosaic.version = 14 : i64} {
  func.func @_tc_prep_body(%arg0: memref<10000x128xf32, #tpu.memory_space<vmem>>, %arg1: memref<128x128xf32, #tpu.memory_space<vmem>>, %arg2: memref<2x10240x128xf32, #tpu.memory_space<vmem>>, %arg3: memref<10000x128xf32, #tpu.memory_space<vmem>>, %arg4: memref<10000x1xf32, #tpu.memory_space<vmem>>) attributes {dimension_semantics = [], scalar_prefetch = 0 : i64, scratch_operands = 0 : i64, tpu.core_type = #tpu.core_type<tc>} {
    %get3A = arith.constant 0 : index
    %get3A_0 = arith.constant 0 : index
    %get3A_1 = arith.constant 0 : index
    %get3A_2 = vector.load %arg2[%get3A, %get3A_0, %get3A_1] : memref<2x10240x128xf32, #tpu.memory_space<vmem>>, vector<1x10000x1xf32>
    %get3A_3 = vector.shape_cast %get3A_2 : vector<1x10000x1xf32> to vector<10000x1xf32>
    %add3A = arith.constant 1.000000e+00 : f32
    %add3A_4 = vector.broadcast %add3A : f32 to vector<10000x1xf32>
    %add3A_5 = arith.addf %add3A_4, %get3A_3 : vector<10000x1xf32>
    %get3A_6 = arith.constant 1 : index
    %get3A_7 = arith.constant 0 : index
    %get3A_8 = arith.constant 0 : index
    %get3A_9 = vector.load %arg2[%get3A_6, %get3A_7, %get3A_8] : memref<2x10240x128xf32, #tpu.memory_space<vmem>>, vector<1x10000x1xf32>
    %get3A_10 = vector.shape_cast %get3A_9 : vector<1x10000x1xf32> to vector<10000x1xf32>
    %add3A_11 = arith.addf %add3A_5, %get3A_10 : vector<10000x1xf32>
    %rsqrt3A = math.rsqrt %add3A_11 : vector<10000x1xf32>
    %get3A_12 = arith.constant 0 : index
    %get3A_13 = arith.constant 0 : index
    %get3A_14 = vector.load %arg0[%get3A_12, %get3A_13] : memref<10000x128xf32, #tpu.memory_space<vmem>>, vector<10000x128xf32>
    %get3A_15 = arith.constant 0 : index
    %get3A_16 = arith.constant 0 : index
    %get3A_17 = vector.load %arg1[%get3A_15, %get3A_16] : memref<128x128xf32, #tpu.memory_space<vmem>>, vector<128x128xf32>
    %dot_general3A = arith.constant dense<0.000000e+00> : vector<10000x128xf32>
    %dot_general3A_18 = tpu.matmul %get3A_14, %get3A_17, %dot_general3A {dimension_numbers = #tpu.dot_dimension_numbers<[1], [0], [0], [1], [0, 0, 1, 1], [], []>, transpose_lhs_hint = false} : vector<10000x128xf32>, vector<128x128xf32>, vector<10000x128xf32> -> vector<10000x128xf32>
    %mul3A = vector.broadcast %rsqrt3A : vector<10000x1xf32> to vector<10000x128xf32>
    %mul3A_19 = arith.mulf %dot_general3A_18, %mul3A : vector<10000x128xf32>
    %swap3A = arith.constant 0 : index
    %swap3A_20 = arith.constant 0 : index
    %swap3A_21 = vector.load %arg3[%swap3A, %swap3A_20] : memref<10000x128xf32, #tpu.memory_space<vmem>>, vector<10000x128xf32>
    tpu.vector_store %arg3[%swap3A, %swap3A_20], %mul3A_19 {strides = array<i32>} : memref<10000x128xf32, #tpu.memory_space<vmem>>, vector<10000x128xf32>,
    %swap3A_22 = arith.constant 0 : index
    %swap3A_23 = arith.constant 0 : index
    %swap3A_24 = vector.load %arg4[%swap3A_22, %swap3A_23] : memref<10000x1xf32, #tpu.memory_space<vmem>>, vector<10000x1xf32>
    tpu.vector_store %arg4[%swap3A_22, %swap3A_23], %rsqrt3A {strides = array<i32>} : memref<10000x1xf32, #tpu.memory_space<vmem>>, vector<10000x1xf32>,
    return
  }
}

module attributes {stable_mosaic.version = 14 : i64} {
  func.func @_tc_final_body(%arg0: memref<2x10240x128xf32, #tpu.memory_space<vmem>>, %arg1: memref<10000x128xf32, #tpu.memory_space<vmem>>, %arg2: memref<10000x1xf32, #tpu.memory_space<vmem>>, %arg3: memref<128xf32, #tpu.memory_space<vmem>>, %arg4: memref<10000x128xf32, #tpu.memory_space<vmem>>) attributes {dimension_semantics = [], scalar_prefetch = 0 : i64, scratch_operands = 0 : i64, tpu.core_type = #tpu.core_type<tc>} {
    %get3A = arith.constant 0 : index
    %get3A_0 = arith.constant 0 : index
    %get3A_1 = arith.constant 0 : index
    %get3A_2 = vector.load %arg0[%get3A, %get3A_0, %get3A_1] : memref<2x10240x128xf32, #tpu.memory_space<vmem>>, vector<1x10000x128xf32>
    %get3A_3 = vector.shape_cast %get3A_2 : vector<1x10000x128xf32> to vector<10000x128xf32>
    %get3A_4 = arith.constant 1 : index
    %get3A_5 = arith.constant 0 : index
    %get3A_6 = arith.constant 0 : index
    %get3A_7 = vector.load %arg0[%get3A_4, %get3A_5, %get3A_6] : memref<2x10240x128xf32, #tpu.memory_space<vmem>>, vector<1x10000x128xf32>
    %get3A_8 = vector.shape_cast %get3A_7 : vector<1x10000x128xf32> to vector<10000x128xf32>
    %add3A = arith.addf %get3A_3, %get3A_8 : vector<10000x128xf32>
    %get3A_9 = arith.constant 0 : index
    %get3A_10 = arith.constant 0 : index
    %get3A_11 = vector.load %arg1[%get3A_9, %get3A_10] : memref<10000x128xf32, #tpu.memory_space<vmem>>, vector<10000x128xf32>
    %add3A_12 = arith.addf %add3A, %get3A_11 : vector<10000x128xf32>
    %get3A_13 = arith.constant 0 : index
    %get3A_14 = arith.constant 0 : index
    %get3A_15 = vector.load %arg2[%get3A_13, %get3A_14] : memref<10000x1xf32, #tpu.memory_space<vmem>>, vector<10000x1xf32>
    %mul3A = vector.broadcast %get3A_15 : vector<10000x1xf32> to vector<10000x128xf32>
    %mul3A_16 = arith.mulf %add3A_12, %mul3A : vector<10000x128xf32>
    %get3A_17 = arith.constant 0 : index
    %get3A_18 = vector.load %arg3[%get3A_17] : memref<128xf32, #tpu.memory_space<vmem>>, vector<128xf32>
    %broadcast_in_dim3A = vector.shape_cast %get3A_18 : vector<128xf32> to vector<1x128xf32>
    %add3A_19 = vector.broadcast %broadcast_in_dim3A : vector<1x128xf32> to vector<10000x128xf32>
    %add3A_20 = arith.addf %mul3A_16, %add3A_19 : vector<10000x128xf32>
    %swap3A = arith.constant 0 : index
    %swap3A_21 = arith.constant 0 : index
    %swap3A_22 = vector.load %arg4[%swap3A, %swap3A_21] : memref<10000x128xf32, #tpu.memory_space<vmem>>, vector<10000x128xf32>
    tpu.vector_store %arg4[%swap3A, %swap3A_21], %add3A_20 {strides = array<i32>} : memref<10000x128xf32, #tpu.memory_space<vmem>>, vector<10000x128xf32>,
    return
  }
}

</mosaic_0001>

<sc_bundles>
// kernel: kernel.6.cloned.1.call-start
scs
__scs_entry_jumppad:
0x0: {  	(pc) =	sbr.rel $0x88, $3  }
0x1: {  	(tag) =	ssettag $0x0;
	lr =	simm.s32 $0x1  }
0x2: {  	[smem:$0x3F9D] =	sst lr;
	_ =	strace $0xD0000000  }
0x3: {  	_ = 	snop  }
0x4: {  	_ = 	snop  }
0x5: {  	_ = 	snop  }
0x6: {  	_ = 	snop  }
0x7: {  	_ = 	snop  }
__scs_overlays_trampoline_lowered:
0x8: {  	[smem:$0x3FAC] =	sst s0  }
0x9: {  	[smem:$0x3FAD] =	sst s1  }
0xa: {  	[smem:$0x3FAE] =	sst s2  }
0xb: {  	[smem:$0x3FAF] =	sst s3  }
0xc: {  	[smem:$0x3FB0] =	sst s4  }
0xd: {  	[smem:$0x3FB1] =	sst s5  }
0xe: {  	[smem:$0x3FB2] =	sst s6  }
0xf: {  	[smem:$0x3FB3] =	sst s7  }
0x10: {  	[smem:$0x3FB4] =	sst s8  }
0x11: {  	[smem:$0x3FB5] =	sst s9;
	s0 =	simm.s32 @!p0 $0x0  }
0x12: {  	s1 =	sld [smem:$0x3F9B];
	s0 =	simm.s32 @p0 $0x1  }
0x13: {  	[smem:$0x3FB6] =	sst s0;
	s0 =	simm.s32 @!p1 $0x0  }
0x14: {  	s2 =	sld [smem:$0x3F9A];
	s0 =	simm.s32 @p1 $0x1  }
0x15: {  	[smem:$0x3FB7] =	sst s0;
	s0 =	simm.s32 @!p2 $0x0  }
0x16: {  	s3 =	sld [smem:$0x3FDB];
	s0 =	simm.s32 @p2 $0x1  }
0x17: {  	s4 =	simm.s32 $0x1BF5;
	[smem:$0x3FB9] =	sst s0  }
0x18: {  	s0 =	sld [smem:$0x3F9C];
	_ =	swait.ge [sflag:s4], $0x0  }
0x19: {  	s7 =	sld [smem:$0x3F9D]  }
0x1a: {  	s8 =	sadd.s32 $0xFFFFE003, lr  }
0x1b: {  	s9 =	sadd.s32 $0xFFFFFEF7, lr;
	s5 =	simm.s32 $0xFFFFFFFF;
	p2 =	slt.u32 s8, $0xFFFFF086  }
0x1c: {  	p1 =	slt.u32 s9, $0xF7A;
	s5 =	simm.s32 @!p2 $0x0  }
0x1d: {  	s5 =	simm.s32 @p1 $0x1;
	p0 =	seq.s32 s7, s2  }
0x1e: {  	s7 =	smul.u32 @!p0 $0xF7A, s2;
	p2 =	seq.s32 @!p0 s5, $0x0  }
0x1f: {  	s9 =	smul.u32 $0xF7A, s1;
	s8 =	simm.s32 @!p0 $0x1BF5;
	p2 =	por !p2, p0  }
0x20: {  	[sflag:s8] =	ssyncset.s32 @!p0 $0xFFFFF086;
	s6 =	sadd.s32 @!p0 s3, s7;
	s7 =	simm.s32 @!p0 $0x108  }
0x21: {  	s3 =	sadd.s32 s3, s9;
	s6 =	sadd.s32 @!p0 $0x88, s6;
	s7 =	simm.s32 @p2 $0x1082  }
0x22: {  	[simem:s7], [sflag:s8] =	dma.local @!p0 [hbm:s6], $0xF7A  }
0x23: {  	s9 =	sor.u32 $0xD0000000, s2;
	s6 =	simm.s32 $0x108;
	_ =	swait.ge @!p0 [sflag:s8], $0x0  }
0x24: {  	s3 =	sadd.s32 $0x88, s3;
	s6 =	simm.s32 @!p1 $0x1082;
	[sflag:s4] =	ssyncset.s32 $0xFFFFF086  }
0x25: {  	[simem:s6], [sflag:s4] =	dma.local [hbm:s3], $0xF7A  }
0x26: {  	[smem:$0x3F9D] =	sst s1;
	(tag) =	ssettag s2;
	_ =	strace s9  }
0x27: {  	s1 =	sld [smem:$0x3FAD]  }
0x28: {  	s2 =	sld [smem:$0x3FAE]  }
0x29: {  	s4 =	sld [smem:$0x3FB0]  }
0x2a: {  	p0 =	seq.s32 s5, $0x0;
	s5 =	sld [smem:$0x3FB1]  }
0x2b: {  	s6 =	sld [smem:$0x3FB2]  }
0x2c: {  	s7 =	sld [smem:$0x3FB3]  }
0x2d: {  	s3 =	simm.s32 $0x108;
	s8 =	sld [smem:$0x3FB4]  }
0x2e: {  	s3 =	simm.s32 @!p0 $0x1082;
	s9 =	sld [smem:$0x3FB5]  }
0x2f: {  	lr =	sadd.s32 s0, s3;
	s0 =	sld [smem:$0x3FAC]  }
0x30: {  	s3 =	sld [smem:$0x3FAF]  }
0x31: {  	[smem:$0x3FB8] =	sst s10  }
0x32: {  	s10 =	sld [smem:$0x3FB6];
	_ =	sdelay $0x3  }
0x33: {  	p0 =	seq.s32 s10, $0x1;
	s10 =	sld [smem:$0x3FB8];
	_ =	sdelay $0x3  }
0x34: {  	[smem:$0x3FB8] =	sst s10  }
0x35: {  	s10 =	sld [smem:$0x3FB7];
	_ =	sdelay $0x3  }
0x36: {  	p1 =	seq.s32 s10, $0x1;
	s10 =	sld [smem:$0x3FB8];
	_ =	sdelay $0x3  }
0x37: {  	[smem:$0x3FB8] =	sst s10  }
0x38: {  	s10 =	sld [smem:$0x3FB9]  }
0x39: {  	_ = 	snop;
	(pc) =	sbr.ind lr, $3  }
0x3a: {  	_ = 	snop  }
0x3b: {  	_ = 	snop  }
0x3c: {  	p2 =	seq.s32 s10, $0x1;
	s10 =	sld [smem:$0x3FB8]  }
0x3d: {  	_ =	shalt  }
0x3e: {  	_ =	shalt  }
0x3f: {  	_ =	shalt  }
0x40: {  	_ =	shalt  }
0x41: {  	_ =	shalt  }
0x42: {  	_ =	shalt  }
0x43: {  	_ =	shalt  }
0x44: {  	_ =	shalt  }
0x45: {  	_ =	shalt  }
0x46: {  	_ =	shalt  }
0x47: {  	_ =	shalt  }
0x48: {  	_ =	shalt  }
0x49: {  	_ =	shalt  }
0x4a: {  	_ =	shalt  }
0x4b: {  	_ =	shalt  }
0x4c: {  	_ =	shalt  }
0x4d: {  	_ =	shalt  }
0x4e: {  	_ =	shalt  }
0x4f: {  	_ =	shalt  }
0x50: {  	_ =	shalt  }
0x51: {  	_ =	shalt  }
0x52: {  	_ =	shalt  }
0x53: {  	_ =	shalt  }
0x54: {  	_ =	shalt  }
0x55: {  	_ =	shalt  }
0x56: {  	_ =	shalt  }
0x57: {  	_ =	shalt  }
0x58: {  	_ =	shalt  }
0x59: {  	_ =	shalt  }
0x5a: {  	_ =	shalt  }
0x5b: {  	_ =	shalt  }
0x5c: {  	_ =	shalt  }
0x5d: {  	_ =	shalt  }
0x5e: {  	_ =	shalt  }
0x5f: {  	_ =	shalt  }
0x60: {  	_ =	shalt  }
0x61: {  	_ =	shalt  }
0x62: {  	_ =	shalt  }
0x63: {  	_ =	shalt  }
0x64: {  	_ =	shalt  }
0x65: {  	_ =	shalt  }
0x66: {  	_ =	shalt  }
0x67: {  	_ =	shalt  }
0x68: {  	_ =	shalt  }
0x69: {  	_ =	shalt  }
0x6a: {  	_ =	shalt  }
0x6b: {  	_ =	shalt  }
0x6c: {  	_ =	shalt  }
0x6d: {  	_ =	shalt  }
0x6e: {  	_ =	shalt  }
0x6f: {  	_ =	shalt  }
0x70: {  	_ =	shalt  }
0x71: {  	_ =	shalt  }
0x72: {  	_ =	shalt  }
0x73: {  	_ =	shalt  }
0x74: {  	_ =	shalt  }
0x75: {  	_ =	shalt  }
0x76: {  	_ =	shalt  }
0x77: {  	_ =	shalt  }
0x78: {  	_ =	shalt  }
0x79: {  	_ =	shalt  }
0x7a: {  	_ =	shalt  }
0x7b: {  	_ =	shalt  }
0x7c: {  	_ =	shalt  }
0x7d: {  	_ =	shalt  }
0x7e: {  	_ =	shalt  }
0x7f: {  	_ =	shalt  }
0x80: {  	_ =	shalt  }
0x81: {  	_ =	shalt  }
0x82: {  	_ =	shalt  }
0x83: {  	_ =	shalt  }
0x84: {  	_ =	shalt  }
0x85: {  	_ =	shalt  }
0x86: {  	_ =	shalt  }
0x87: {  	_ =	shalt  }
.Lfunc_end0:
.L_simem_size_0:
called_computation_lowered:
.L_overlay_start_0:
0x88: {  	s2 =	sld [smem:$0x3FD9]  }
0x89: {  	s3 =	sld [smem:$0x3FFE];
	_ =	sdelay $0x1  }
0x8a: {  	s1 =	srdreg.scid  }
0x8b: {  	s0 =	sand.u32 $0x1, s1  }
0x8c: {  	s17 =	sshll.u32 s0, $0xA;
	s2 =	sadd.s32 s3, s2  }
0x8d: {  	s2 =	sadd.s32 s2, s17  }
0x8e: {  	[smem:$0x3FC4] =	sst s2  }
0x8f: {  	_ = 	snop  }
0x90: {  	s2 =	sld [smem:$0x3FD0];
	(tm) =	ssettm $0x1  }
0x91: {  	s18 =	sld [smem:$0x3FFB];
	_ =	sdelay $0x3  }
0x92: {  	_ =	strace s18  }
0x93: {  	s3 =	sld [smem:$0x3FFC];
	_ =	sdelay $0x3  }
0x94: {  	_ =	strace s3  }
0x95: {  	s3 =	sld [smem:$0x3FFD];
	_ =	sdelay $0x3  }
0x96: {  	_ =	strace s3  }
0x97: {  	_ =	strace $0x8FFFFFFF  }
0x98: {  	s19 =	sld [smem:$0x3FDB];
	_ =	sdelay $0x1  }
0x99: {  	s4 =	simm.s32 $_scs_section_size  }
0x9a: {  	s5 =	simm.s32 $_size__tile_overlayer_lowered;
	s6 =	simm.s32 $_tile_overlayer_lowered  }
0x9b: {  	s22 =	simm.s32 $0x1BFF;
	s21 =	sshll.u32 s6, $0x1;
	s3 =	sadd.s32 s4, s19  }
0x9c: {  	s7 =	simm.s32 $0x0;
	s20 =	sshll.u32 s5, $0x1;
	s5 =	sadd.s32 s21, s3  }
0x9d: {  	[timem:s7], [sflag:s22] =	dma.local [hbm:s5], s20  }
0x9e: {  	_ =	swait.ge [sflag:s22], s20  }
0x9f: {  	s4 =	ssub.s32 $0x0, s20;
	[sflag:s22] =	ssyncset.done $0x0  }
0xa0: {  	[sflag:s22] =	ssyncadd.s32 s4;
	_ =	sdelay $0x1  }
0xa1: {  	s23 =	simm.s32 $0x1B8B  }
0xa2: {  	_ =	swait.ge [sflag:s23], $0x1  }
0xa3: {  	[sflag:s23] =	ssyncset.done $0x0  }
0xa4: {  	s25 =	simm.s32 $0x1B8E;
	s24 =	sld [smem:$0x3FFE];
	[sflag:s23] =	ssyncadd.s32 $0xFFFFFFFF  }
0xa5: {  	s26 =	simm.s32 $execute0_lowered;
	[smem:$0x3FD2] =	sst s25  }
0xa6: {  	s5 =	sshll.u32 s26, $0x1;
	_ =	strace $0x80000046;
	[dreg:$0x1] =	wrdreg $0xFFFFFFFF  }
0xa7: {  	s28 =	simm.s32 $_size_execute0_lowered;
	s3 =	sadd.s32 s3, s5;
	[dreg:$0x0] =	wrdreg $0x0  }
0xa8: {  	s5 =	sshll.u32 s28, $0x1;
	[dreg:$0x2] =	wrdreg s3  }
0xa9: {  	[dreg:$0x3] =	wrdreg s5  }
0xaa: {  	[dreg:$0x4] =	wrdreg $0xC0  }
0xab: {  	_ =	task [dreg:s7], $0x5FFFF  }
0xac: {  	[dreg:$0x1] =	wrdreg $0xFFFFFFFF  }
0xad: {  	[dreg:$0x0] =	wrdreg $0x60  }
0xae: {  	[dreg:$0x2] =	wrdreg s24  }
0xaf: {  	[dreg:$0x3] =	wrdreg s2  }
0xb0: {  	[dreg:$0x4] =	wrdreg $0x68000  }
0xb1: {  	[dreg:$0x5] =	wrdreg $0x9  }
0xb2: {  	_ =	task.clear_ibuf [dreg:s7], $0x6FFFF;
	_ =	strace $0x90000046  }
0xb3: {  	s29 =	simm.s32 $0x9;
	_ =	strace $0x80000048  }
0xb4: {  	_ =	swait.ge [sflag:s29], $0x1  }
0xb5: {  	[sflag:s29] =	ssyncadd.s32 $0xFFFFFFFF  }
0xb6: {  	_ =	strace $0x90000048  }
0xb7: {  	_ =	sfence  }
0xb8: {  	s30 =	sld [smem:$0x0];
	_ =	sdelay $0x2  }
0xb9: {  	s31 =	sshll.u32 s1, $0xD;
	s1 =	sshrl.u32 s1, $0x2  }
0xba: {  	s3 =	sand.u32 $0x4000, s31;
	s1 =	sadd.s32 s1, s30  }
0xbb: {  	s0 =	sor.u32 s3, s0;
	s1 =	sshll.u32 s1, $0x11  }
0xbc: {  	s0 =	sor.u32 s1, s0  }
0xbd: {  	s0 =	sadd.s32 $0x8F2B, s0  }
0xbe: {  	[sflag:s0] =	ssyncadd.remote.s32 $0x1  }
0xbf: {  	_ =	sfence.sel $0xFFFF  }
0xc0: {  	[dreg:$0x0] =	wrdreg $0xFFFFFFFF;
	(pc) =	sbr.abs _section_cstart, $3  }
0xc1: {  	[dreg:$0x1] =	wrdreg $0xFFFFFFFF  }
0xc2: {  	_ =	task.clear_ibuf [dreg:s7], $0x2FFFF;
	_ =	strace $0x9FFFFFFF  }
0xc3: {  	(tm) =	ssettm $0x7FFFFFFF  }
tec
execute0_lowered:
.L_overlay_start_1:
0x0: {  	(tag) =	ssettag $0x1  }
0x1: {  	s1 =	srdreg.scid;
	s6 =	rddreg [dreg:$0x0]  }
0x2: {  	s0 =	stileid.u32;
	s2 =	rddreg [dreg:$0x1]  }
0x3: {  	s3 =	rddreg [dreg:$0x2];
	s4 =	simm.s32 $0x0;
	s14 =	simm.s32 $0x2  }
0x4: {  	s15 =	simm.s32 $0x2800;
	s16 =	simm.s32 $0x80;
	s17 =	simm.s32 $0x100  }
0x5: {  	s18 =	simm.s32 $0x180;
	s19 =	simm.s32 $0x1;
	s22 =	simm.s32 $0x0  }
0x6: {  	s7 =	sand.u32 $0x1, s1;
	s29 =	sshll.u32 s0, $0x1;
	s9 =	smul.u32 $0x14000, s0  }
0x7: {  	[smem:$0x7FF] =	sst s4;
	s10 =	smul.u32 $0x50000, s0;
	s20 =	sshll.u32 s0, $0x6  }
0x8: {  	s1 =	sor.u32 s7, s29;
	s8 =	smul.u32 $0x140000, s7;
	s7 =	ssub.s32 $0x2, s7  }
0x9: {  	s20 =	sor.u32 $0x1C02, s20;
	s5 =	smul.u32 $0x500, s1;
	s1 =	rddreg [dreg:$0x3]  }
0xa: {  	_ =	strace $0x80000047;
	s30 =	sshrl.u32 s10, $0x2;
	s31 =	sshrl.u32 s7, $0x1  }
0xb: {  	s8 =	sadd.s32 s9, s8;
	s13 =	ssub.s32 s7, s31;
	s11 =	sadd.s32 s5, s6  }
0xc: {  	s5 =	sadd.s32 $0x15C00, s6;
	s8 =	sshrl.u32 s8, $0x3;
	s13 =	smax.u32 s13, $0x1  }
0xd: {  	s12 =	sadd.s32 s8, s6;
	s6 =	sadd.s32 s30, s3;
	s7 =	sadd.s32 $0x1C00, s11  }
0xe: {  	s8 =	sadd.s32 $0x4000, s6;
	s9 =	sadd.s32 $0x8000, s6;
	s10 =	sadd.s32 $0xC000, s6  }
0xf: {  	s11 =	sadd.s32 $0x10000, s6;
	s12 =	sadd.s32 $0x16400, s12;
	s21 =	sshrl.u32 s6, $0x3  }
.LBB2_1:
0x10: {  	[tilespmem:s4], [sflag:$0x2] =	stream.linear.gather [hbm4b:s7+s4], $0x2800, $0x38;
	[tilespmem:$0x1A800] =	vst v63  }
0x11: {  	_ =	swait.ge [sflag:s14], $0x2800  }
0x12: {  	[sflag:s14] =	ssyncset.done $0x0  }
0x13: {  	[sflag:s14] =	ssyncadd.s32 $0xFFFFD800  }
0x14: {  	[tilespmem:s15], [sflag:$0x2] =	stream.linear.gather [hbm4b:s5+s4], $0x4000, $0x38;
	[tilespmem:$0x1A800] =	vst v63  }
0x15: {  	_ =	swait.ge [sflag:s14], $0x4000  }
0x16: {  	[sflag:s14] =	ssyncset.done $0x0  }
0x17: {  	[sflag:s14] =	ssyncadd.s32 $0xFFFFC000  }
0x18: {  	[spmem:s6] =	stream.linear.scatter [tilespmem:s15], [sflag:$0x2], $0x4000, $0x38;
	[tilespmem:$0x1A800] =	vst v63  }
0x19: {  	_ =	swait.ge [sflag:s14], $0x4000  }
0x1a: {  	[sflag:s14] =	ssyncset.done $0x0  }
0x1b: {  	[sflag:s14] =	ssyncadd.s32 $0xFFFFC000  }
0x1c: {  	[spmem:s8] =	stream.linear.scatter [tilespmem:s15], [sflag:$0x2], $0x4000, $0x38;
	[tilespmem:$0x1A800] =	vst v63  }
0x1d: {  	_ =	swait.ge [sflag:s14], $0x4000  }
0x1e: {  	[sflag:s14] =	ssyncset.done $0x0  }
0x1f: {  	[sflag:s14] =	ssyncadd.s32 $0xFFFFC000  }
0x20: {  	[spmem:s9] =	stream.linear.scatter [tilespmem:s15], [sflag:$0x2], $0x4000, $0x38;
	[tilespmem:$0x1A800] =	vst v63  }
0x21: {  	_ =	swait.ge [sflag:s14], $0x4000  }
0x22: {  	[sflag:s14] =	ssyncset.done $0x0  }
0x23: {  	[sflag:s14] =	ssyncadd.s32 $0xFFFFC000  }
0x24: {  	[spmem:s10] =	stream.linear.scatter [tilespmem:s15], [sflag:$0x2], $0x4000, $0x38;
	[tilespmem:$0x1A800] =	vst v63  }
0x25: {  	_ =	swait.ge [sflag:s14], $0x4000  }
0x26: {  	[sflag:s14] =	ssyncset.done $0x0  }
0x27: {  	[sflag:s14] =	ssyncadd.s32 $0xFFFFC000  }
0x28: {  	[spmem:s11] =	stream.linear.scatter [tilespmem:s15], [sflag:$0x2], $0x4000, $0x38;
	[tilespmem:$0x1A800] =	vst v63  }
0x29: {  	_ =	swait.ge [sflag:s14], $0x4000  }
0x2a: {  	[sflag:s14] =	ssyncset.done $0x0  }
0x2b: {  	[sflag:s14] =	ssyncadd.s32 $0xFFFFC000  }
0x2c: {  	[tilespmem:s15], [sflag:$0x2] =	stream.linear.gather [hbm4b:s2+s4], $0x4000, $0x38;
	[tilespmem:$0x1A800] =	vst v63  }
0x2d: {  	_ =	swait.ge [sflag:s14], $0x4000  }
0x2e: {  	[sflag:s14] =	ssyncset.done $0x0  }
0x2f: {  	[sflag:s14] =	ssyncadd.s32 $0xFFFFC000  }
0x30: {  	[bflag:$0x0] =	sbarrier.arrive $0xFFFF  }
0x31: {  	[spmem:s3] =	stream.indirect.scatter.add.f32 [tilespmem:s15], [sflag:$0x1], $0x80, s4, s16, $0xb8;
	[tilespmem:$0x1A800] =	vst v63  }
0x32: {  	_ = 	snop  }
0x33: {  	[spmem:s3] =	stream.indirect.scatter.add.f32 [tilespmem:s15], [sflag:$0x1], $0x80, s16, s16, $0xb8;
	[tilespmem:$0x1A800] =	vst v63  }
0x34: {  	_ = 	snop  }
0x35: {  	[spmem:s3] =	stream.indirect.scatter.add.f32 [tilespmem:s15], [sflag:$0x1], $0x80, s17, s16, $0xb8;
	[tilespmem:$0x1A800] =	vst v63  }
0x36: {  	_ = 	snop  }
0x37: {  	[spmem:s3] =	stream.indirect.scatter.add.f32 [tilespmem:s15], [sflag:$0x1], $0x80, s18, s16, $0xb8;
	[tilespmem:$0x1A800] =	vst v63  }
0x38: {  	_ =	swait.ge [sflag:s19], $0x4000  }
0x39: {  	[sflag:s19] =	ssyncset.done $0x0  }
0x3a: {  	s23 =	simm.s32 $0xA00;
	s24 =	simm.s32 $0x200;
	[sflag:s19] =	ssyncadd.s32 $0xFFFFC000  }
.LBB2_2:
0x3b: {  	[spmem:s3] =	stream.indirect.scatter.add.f32 [tilespmem:s15], [sflag:$0x1], $0x80, s24, s16, $0xb8;
	[tilespmem:$0x1A800] =	vst v63  }
0x3c: {  	s24 =	smov.u32 s23;
	p0 =	sne.s32 s23, $0x9E00  }
.Ltmp0:
0x3d: {  	s23 =	sadd.s32 $0x200, s23;
	(pc) =	sbr.rel @p0 .LBB2_2-.Ltmp0, $4  }
0x3e: {  	_ = 	snop  }
0x3f: {  	_ =	swait.ge [sflag:s19], $0x4000  }
0x40: {  	[sflag:s19] =	ssyncset.done $0x0  }
0x41: {  	s24 =	sshra.s32 s24, $0x2;
	[sflag:s19] =	ssyncadd.s32 $0xFFFFC000  }
0x42: {  	[spmem:s3] =	stream.indirect.scatter.add.f32 [tilespmem:s15], [sflag:$0x1], $0x80, s24, s16, $0xb8;
	[tilespmem:$0x1A800] =	vst v63  }
0x43: {  	_ =	swait.ge [sflag:s19], $0x4000  }
0x44: {  	[sflag:s19] =	ssyncset.done $0x0  }
0x45: {  	[sflag:s19] =	ssyncadd.s32 $0xFFFFC000  }
0x46: {  	_ =	swait.ge [sflag:s19], $0x4000  }
0x47: {  	[sflag:s19] =	ssyncset.done $0x0  }
0x48: {  	[sflag:s19] =	ssyncadd.s32 $0xFFFFC000  }
0x49: {  	_ =	swait.ge [sflag:s19], $0x4000  }
0x4a: {  	[sflag:s19] =	ssyncset.done $0x0  }
0x4b: {  	[sflag:s19] =	ssyncadd.s32 $0xFFFFC000  }
0x4c: {  	_ =	swait.ge [sflag:s19], $0x4000  }
0x4d: {  	s22 =	sadd.s32 $0x1, s22;
	[sflag:s19] =	ssyncset.done $0x0  }
0x4e: {  	p0 =	sne.s32 s22, s13;
	[sflag:s19] =	ssyncadd.s32 $0xFFFFC000  }
.Ltmp1:
0x4f: {  	[bflag:$0x0] =	sbarrier.arrive $0xFFFF;
	(pc) =	sbr.rel @p0 .LBB2_1-.Ltmp1, $4  }
0x50: {  	[hbm:s12], [sflag:s20] =	dma.local [spmem:s21], $0x2800  }
0x51: {  	_ =	swait.ge [sflag:s14], $0x2800  }
0x52: {  	[sflag:s14] =	ssyncset.done $0x0  }
0x53: {  	[sflag:s14] =	ssyncadd.s32 $0xFFFFD800  }
0x54: {  	_ =	sfence.sel $0x180000  }
0x55: {  	[bflag:$0x0] =	sbarrier.arrive $0xFFFF  }
0x56: {  	p0 =	sne.s32 s0, $0x0;
	_ =	strace $0x90000047  }
0x57: {  	s0 =	sadd.s32 @!p0 $0x100000, s1;
	[bflag:$0x2] =	sbarrier.arrive $0xFFFF  }
0x58: {  	[sflag:s0] =	ssyncadd.tile.s32 @!p0 $0x1;
	_ =	shalt  }
.Lfunc_end2:
_tile_overlayer_lowered:
.L_overlay_start_2:
0x59: {  	(tag) =	ssettag $0x2  }
0x5a: {  	s0 =	rddreg [dreg:$0x0];
	s2 =	stileid.u32  }
0x5b: {  	s1 =	rddreg [dreg:$0x1];
	p0 =	sne.s32 s2, $0x0  }
0x5c: {  	s3 =	rddreg [dreg:$0x2];
	[bflag:$0x3] =	sbarrier.arrive $0xFFFF;
	s2 =	simm.s32 @!p0 $0x1C02  }
0x5d: {  	[timem:s3], [sflag:s2] =	dma.local @!p0 [hbm:s0], s1  }
0x5e: {  	s0 =	simm.s32 @!p0 $0x2  }
0x5f: {  	_ =	swait.ge @!p0 [sflag:s0], s1  }
0x60: {  	s1 =	ssub.s32 @!p0 $0x0, s1;
	[sflag:s0] =	ssyncset.done @!p0 $0x0  }
0x61: {  	[sflag:s0] =	ssyncadd.s32 @!p0 s1  }
0x62: {  	[bflag:$0x3] =	sbarrier.arrive $0xFFFF  }
0x63: {  	_ =	shalt  }

// kernel: kernel.9.cloned.1.call-start
scs
__scs_entry_jumppad:
0x0: {  	(pc) =	sbr.rel $0x88, $3  }
0x1: {  	(tag) =	ssettag $0x0;
	lr =	simm.s32 $0x1  }
0x2: {  	[smem:$0x3F9D] =	sst lr;
	_ =	strace $0xD0000000  }
0x3: {  	_ = 	snop  }
0x4: {  	_ = 	snop  }
0x5: {  	_ = 	snop  }
0x6: {  	_ = 	snop  }
0x7: {  	_ = 	snop  }
__scs_overlays_trampoline_lowered:
0x8: {  	[smem:$0x3FAC] =	sst s0  }
0x9: {  	[smem:$0x3FAD] =	sst s1  }
0xa: {  	[smem:$0x3FAE] =	sst s2  }
0xb: {  	[smem:$0x3FAF] =	sst s3  }
0xc: {  	[smem:$0x3FB0] =	sst s4  }
0xd: {  	[smem:$0x3FB1] =	sst s5  }
0xe: {  	[smem:$0x3FB2] =	sst s6  }
0xf: {  	[smem:$0x3FB3] =	sst s7  }
0x10: {  	[smem:$0x3FB4] =	sst s8  }
0x11: {  	[smem:$0x3FB5] =	sst s9;
	s0 =	simm.s32 @!p0 $0x0  }
0x12: {  	s1 =	sld [smem:$0x3F9B];
	s0 =	simm.s32 @p0 $0x1  }
0x13: {  	[smem:$0x3FB6] =	sst s0;
	s0 =	simm.s32 @!p1 $0x0  }
0x14: {  	s2 =	sld [smem:$0x3F9A];
	s0 =	simm.s32 @p1 $0x1  }
0x15: {  	[smem:$0x3FB7] =	sst s0;
	s0 =	simm.s32 @!p2 $0x0  }
0x16: {  	s3 =	sld [smem:$0x3FDB];
	s0 =	simm.s32 @p2 $0x1  }
0x17: {  	s4 =	simm.s32 $0x1BF5;
	[smem:$0x3FB9] =	sst s0  }
0x18: {  	s0 =	sld [smem:$0x3F9C];
	_ =	swait.ge [sflag:s4], $0x0  }
0x19: {  	s7 =	sld [smem:$0x3F9D]  }
0x1a: {  	s8 =	sadd.s32 $0xFFFFE003, lr  }
0x1b: {  	s9 =	sadd.s32 $0xFFFFFEF7, lr;
	s5 =	simm.s32 $0xFFFFFFFF;
	p2 =	slt.u32 s8, $0xFFFFF086  }
0x1c: {  	p1 =	slt.u32 s9, $0xF7A;
	s5 =	simm.s32 @!p2 $0x0  }
0x1d: {  	s5 =	simm.s32 @p1 $0x1;
	p0 =	seq.s32 s7, s2  }
0x1e: {  	s7 =	smul.u32 @!p0 $0xF7A, s2;
	p2 =	seq.s32 @!p0 s5, $0x0  }
0x1f: {  	s9 =	smul.u32 $0xF7A, s1;
	s8 =	simm.s32 @!p0 $0x1BF5;
	p2 =	por !p2, p0  }
0x20: {  	[sflag:s8] =	ssyncset.s32 @!p0 $0xFFFFF086;
	s6 =	sadd.s32 @!p0 s3, s7;
	s7 =	simm.s32 @!p0 $0x108  }
0x21: {  	s3 =	sadd.s32 s3, s9;
	s6 =	sadd.s32 @!p0 $0x88, s6;
	s7 =	simm.s32 @p2 $0x1082  }
0x22: {  	[simem:s7], [sflag:s8] =	dma.local @!p0 [hbm:s6], $0xF7A  }
0x23: {  	s9 =	sor.u32 $0xD0000000, s2;
	s6 =	simm.s32 $0x108;
	_ =	swait.ge @!p0 [sflag:s8], $0x0  }
0x24: {  	s3 =	sadd.s32 $0x88, s3;
	s6 =	simm.s32 @!p1 $0x1082;
	[sflag:s4] =	ssyncset.s32 $0xFFFFF086  }
0x25: {  	[simem:s6], [sflag:s4] =	dma.local [hbm:s3], $0xF7A  }
0x26: {  	[smem:$0x3F9D] =	sst s1;
	(tag) =	ssettag s2;
	_ =	strace s9  }
0x27: {  	s1 =	sld [smem:$0x3FAD]  }
0x28: {  	s2 =	sld [smem:$0x3FAE]  }
0x29: {  	s4 =	sld [smem:$0x3FB0]  }
0x2a: {  	p0 =	seq.s32 s5, $0x0;
	s5 =	sld [smem:$0x3FB1]  }
0x2b: {  	s6 =	sld [smem:$0x3FB2]  }
0x2c: {  	s7 =	sld [smem:$0x3FB3]  }
0x2d: {  	s3 =	simm.s32 $0x108;
	s8 =	sld [smem:$0x3FB4]  }
0x2e: {  	s3 =	simm.s32 @!p0 $0x1082;
	s9 =	sld [smem:$0x3FB5]  }
0x2f: {  	lr =	sadd.s32 s0, s3;
	s0 =	sld [smem:$0x3FAC]  }
0x30: {  	s3 =	sld [smem:$0x3FAF]  }
0x31: {  	[smem:$0x3FB8] =	sst s10  }
0x32: {  	s10 =	sld [smem:$0x3FB6];
	_ =	sdelay $0x3  }
0x33: {  	p0 =	seq.s32 s10, $0x1;
	s10 =	sld [smem:$0x3FB8];
	_ =	sdelay $0x3  }
0x34: {  	[smem:$0x3FB8] =	sst s10  }
0x35: {  	s10 =	sld [smem:$0x3FB7];
	_ =	sdelay $0x3  }
0x36: {  	p1 =	seq.s32 s10, $0x1;
	s10 =	sld [smem:$0x3FB8];
	_ =	sdelay $0x3  }
0x37: {  	[smem:$0x3FB8] =	sst s10  }
0x38: {  	s10 =	sld [smem:$0x3FB9]  }
0x39: {  	_ = 	snop;
	(pc) =	sbr.ind lr, $3  }
0x3a: {  	_ = 	snop  }
0x3b: {  	_ = 	snop  }
0x3c: {  	p2 =	seq.s32 s10, $0x1;
	s10 =	sld [smem:$0x3FB8]  }
0x3d: {  	_ =	shalt  }
0x3e: {  	_ =	shalt  }
0x3f: {  	_ =	shalt  }
0x40: {  	_ =	shalt  }
0x41: {  	_ =	shalt  }
0x42: {  	_ =	shalt  }
0x43: {  	_ =	shalt  }
0x44: {  	_ =	shalt  }
0x45: {  	_ =	shalt  }
0x46: {  	_ =	shalt  }
0x47: {  	_ =	shalt  }
0x48: {  	_ =	shalt  }
0x49: {  	_ =	shalt  }
0x4a: {  	_ =	shalt  }
0x4b: {  	_ =	shalt  }
0x4c: {  	_ =	shalt  }
0x4d: {  	_ =	shalt  }
0x4e: {  	_ =	shalt  }
0x4f: {  	_ =	shalt  }
0x50: {  	_ =	shalt  }
0x51: {  	_ =	shalt  }
0x52: {  	_ =	shalt  }
0x53: {  	_ =	shalt  }
0x54: {  	_ =	shalt  }
0x55: {  	_ =	shalt  }
0x56: {  	_ =	shalt  }
0x57: {  	_ =	shalt  }
0x58: {  	_ =	shalt  }
0x59: {  	_ =	shalt  }
0x5a: {  	_ =	shalt  }
0x5b: {  	_ =	shalt  }
0x5c: {  	_ =	shalt  }
0x5d: {  	_ =	shalt  }
0x5e: {  	_ =	shalt  }
0x5f: {  	_ =	shalt  }
0x60: {  	_ =	shalt  }
0x61: {  	_ =	shalt  }
0x62: {  	_ =	shalt  }
0x63: {  	_ =	shalt  }
0x64: {  	_ =	shalt  }
0x65: {  	_ =	shalt  }
0x66: {  	_ =	shalt  }
0x67: {  	_ =	shalt  }
0x68: {  	_ =	shalt  }
0x69: {  	_ =	shalt  }
0x6a: {  	_ =	shalt  }
0x6b: {  	_ =	shalt  }
0x6c: {  	_ =	shalt  }
0x6d: {  	_ =	shalt  }
0x6e: {  	_ =	shalt  }
0x6f: {  	_ =	shalt  }
0x70: {  	_ =	shalt  }
0x71: {  	_ =	shalt  }
0x72: {  	_ =	shalt  }
0x73: {  	_ =	shalt  }
0x74: {  	_ =	shalt  }
0x75: {  	_ =	shalt  }
0x76: {  	_ =	shalt  }
0x77: {  	_ =	shalt  }
0x78: {  	_ =	shalt  }
0x79: {  	_ =	shalt  }
0x7a: {  	_ =	shalt  }
0x7b: {  	_ =	shalt  }
0x7c: {  	_ =	shalt  }
0x7d: {  	_ =	shalt  }
0x7e: {  	_ =	shalt  }
0x7f: {  	_ =	shalt  }
0x80: {  	_ =	shalt  }
0x81: {  	_ =	shalt  }
0x82: {  	_ =	shalt  }
0x83: {  	_ =	shalt  }
0x84: {  	_ =	shalt  }
0x85: {  	_ =	shalt  }
0x86: {  	_ =	shalt  }
0x87: {  	_ =	shalt  }
.Lfunc_end0:
.L_simem_size_0:
called_computation.1_lowered:
.L_overlay_start_0:
0x88: {  	s2 =	sld [smem:$0x3FD9]  }
0x89: {  	s3 =	sld [smem:$0x3FFE];
	_ =	sdelay $0x1  }
0x8a: {  	s1 =	srdreg.scid  }
0x8b: {  	s0 =	sand.u32 $0x1, s1  }
0x8c: {  	s17 =	sshll.u32 s0, $0xA;
	s2 =	sadd.s32 s3, s2  }
0x8d: {  	s2 =	sadd.s32 s2, s17  }
0x8e: {  	[smem:$0x3FC4] =	sst s2  }
0x8f: {  	_ = 	snop  }
0x90: {  	s2 =	sld [smem:$0x3FD0];
	(tm) =	ssettm $0x1  }
0x91: {  	s18 =	sld [smem:$0x3FFB];
	_ =	sdelay $0x3  }
0x92: {  	_ =	strace s18  }
0x93: {  	s3 =	sld [smem:$0x3FFC];
	_ =	sdelay $0x3  }
0x94: {  	_ =	strace s3  }
0x95: {  	s3 =	sld [smem:$0x3FFD];
	_ =	sdelay $0x3  }
0x96: {  	_ =	strace s3  }
0x97: {  	_ =	strace $0x8FFFFFFF  }
0x98: {  	s19 =	sld [smem:$0x3FDB];
	_ =	sdelay $0x1  }
0x99: {  	s4 =	simm.s32 $_scs_section_size  }
0x9a: {  	s5 =	simm.s32 $_size__tile_overlayer_lowered;
	s6 =	simm.s32 $_tile_overlayer_lowered  }
0x9b: {  	s22 =	simm.s32 $0x1BFF;
	s21 =	sshll.u32 s6, $0x1;
	s3 =	sadd.s32 s4, s19  }
0x9c: {  	s7 =	simm.s32 $0x0;
	s20 =	sshll.u32 s5, $0x1;
	s5 =	sadd.s32 s21, s3  }
0x9d: {  	[timem:s7], [sflag:s22] =	dma.local [hbm:s5], s20  }
0x9e: {  	_ =	swait.ge [sflag:s22], s20  }
0x9f: {  	s4 =	ssub.s32 $0x0, s20;
	[sflag:s22] =	ssyncset.done $0x0  }
0xa0: {  	[sflag:s22] =	ssyncadd.s32 s4;
	_ =	sdelay $0x1  }
0xa1: {  	s23 =	simm.s32 $0x1B8B  }
0xa2: {  	_ =	swait.ge [sflag:s23], $0x1  }
0xa3: {  	[sflag:s23] =	ssyncset.done $0x0  }
0xa4: {  	s25 =	simm.s32 $0x1B8E;
	s24 =	sld [smem:$0x3FFE];
	[sflag:s23] =	ssyncadd.s32 $0xFFFFFFFF  }
0xa5: {  	s26 =	simm.s32 $execute0_lowered;
	[smem:$0x3FD2] =	sst s25  }
0xa6: {  	s5 =	sshll.u32 s26, $0x1;
	_ =	strace $0x80000049;
	[dreg:$0x1] =	wrdreg $0xFFFFFFFF  }
0xa7: {  	s28 =	simm.s32 $_size_execute0_lowered;
	s3 =	sadd.s32 s3, s5;
	[dreg:$0x0] =	wrdreg $0x0  }
0xa8: {  	s5 =	sshll.u32 s28, $0x1;
	[dreg:$0x2] =	wrdreg s3  }
0xa9: {  	[dreg:$0x3] =	wrdreg s5  }
0xaa: {  	[dreg:$0x4] =	wrdreg $0xC0  }
0xab: {  	_ =	task [dreg:s7], $0x5FFFF  }
0xac: {  	[dreg:$0x1] =	wrdreg $0xFFFFFFFF  }
0xad: {  	[dreg:$0x0] =	wrdreg $0x60  }
0xae: {  	[dreg:$0x2] =	wrdreg s2  }
0xaf: {  	[dreg:$0x3] =	wrdreg s24  }
0xb0: {  	[dreg:$0x4] =	wrdreg $0xA9000  }
0xb1: {  	[dreg:$0x5] =	wrdreg $0x9  }
0xb2: {  	_ =	task.clear_ibuf [dreg:s7], $0x6FFFF;
	_ =	strace $0x90000049  }
0xb3: {  	s29 =	simm.s32 $0x9;
	_ =	strace $0x8000004B  }
0xb4: {  	_ =	swait.ge [sflag:s29], $0x1  }
0xb5: {  	[sflag:s29] =	ssyncadd.s32 $0xFFFFFFFF  }
0xb6: {  	_ =	strace $0x9000004B  }
0xb7: {  	_ =	sfence  }
0xb8: {  	s30 =	sld [smem:$0x0];
	_ =	sdelay $0x2  }
0xb9: {  	s31 =	sshll.u32 s1, $0xD;
	s1 =	sshrl.u32 s1, $0x2  }
0xba: {  	s3 =	sand.u32 $0x4000, s31;
	s1 =	sadd.s32 s1, s30  }
0xbb: {  	s0 =	sor.u32 s3, s0;
	s1 =	sshll.u32 s1, $0x11  }
0xbc: {  	s0 =	sor.u32 s1, s0  }
0xbd: {  	s0 =	sadd.s32 $0x8F2B, s0  }
0xbe: {  	[sflag:s0] =	ssyncadd.remote.s32 $0x1  }
0xbf: {  	_ =	sfence.sel $0xFFFF  }
0xc0: {  	[dreg:$0x0] =	wrdreg $0xFFFFFFFF;
	(pc) =	sbr.abs _section_cstart, $3  }
0xc1: {  	[dreg:$0x1] =	wrdreg $0xFFFFFFFF  }
0xc2: {  	_ =	task.clear_ibuf [dreg:s7], $0x2FFFF;
	_ =	strace $0x9FFFFFFF  }
0xc3: {  	(tm) =	ssettm $0x7FFFFFFF  }
tec
execute0_lowered:
.L_overlay_start_1:
0x0: {  	(tag) =	ssettag $0x1  }
0x1: {  	s2 =	srdreg.scid;
	s1 =	rddreg [dreg:$0x0]  }
0x2: {  	s0 =	stileid.u32;
	s8 =	rddreg [dreg:$0x1]  }
0x3: {  	s5 =	simm.s32 $0x0;
	s18 =	simm.s32 $0x3;
	s19 =	simm.s32 $0x2900  }
0x4: {  	s20 =	simm.s32 $0x2800;
	s21 =	simm.s32 $0x1;
	s22 =	simm.s32 $0x80  }
0x5: {  	s23 =	simm.s32 $0x6900;
	s24 =	simm.s32 $0x2880;
	s25 =	simm.s32 $0x2  }
0x6: {  	s28 =	simm.s32 $0x0;
	s2 =	sand.u32 $0x1, s2;
	s3 =	sshll.u32 s0, $0x1  }
0x7: {  	[smem:$0x7FF] =	sst s5;
	s9 =	smul.u32 $0x14000, s0;
	s6 =	sadd.s32 $0x1C00, s8  }
0x8: {  	s11 =	smul.u32 $0x50000, s0;
	s29 =	sadd.s32 $0x15C00, s8;
	s4 =	sor.u32 s2, s3  }
0x9: {  	s3 =	rddreg [dreg:$0x2];
	s7 =	smul.u32 $0x140000, s2;
	_ =	strace $0x8000004A  }
0xa: {  	[dreg:$0x4] =	wrdreg s29;
	s2 =	ssub.s32 $0x2, s2;
	s4 =	smul.u32 $0x2800, s4  }
0xb: {  	s30 =	sshrl.u32 s2, $0x1;
	s31 =	sshrl.u32 s11, $0x2;
	s9 =	sadd.s32 s9, s7  }
0xc: {  	s2 =	ssub.s32 s2, s30;
	s14 =	sshrl.u32 s4, $0x3;
	s9 =	sshrl.u32 s9, $0x3  }
0xd: {  	s16 =	smax.u32 s2, $0x1;
	s10 =	sadd.s32 s14, s8;
	s15 =	sadd.s32 s9, s8  }
0xe: {  	s9 =	sadd.s32 s31, s3;
	s14 =	sadd.s32 s6, s14;
	s8 =	sadd.s32 $0xBC00, s10  }
0xf: {  	s10 =	sadd.s32 $0x4000, s9;
	s11 =	sadd.s32 $0x8000, s9;
	s12 =	sadd.s32 $0xC000, s9  }
0x10: {  	s13 =	sadd.s32 $0x10000, s9;
	s15 =	sadd.s32 $0x16400, s15;
	s17 =	sadd.s32 $0x4F0, s14  }
.LBB2_1:
0x11: {  	[tilespmem:s5], [sflag:$0x3] =	stream.linear.gather [hbm4b:s8+s5], $0x2800, $0x38;
	[tilespmem:$0x1E900] =	vst v63  }
0x12: {  	_ =	swait.ge [sflag:s18], $0x2800  }
0x13: {  	[sflag:s18] =	ssyncset.done $0x0  }
0x14: {  	s0 =	rddreg [dreg:$0x4];
	[sflag:s18] =	ssyncadd.s32 $0xFFFFD800  }
0x15: {  	[tilespmem:s19], [sflag:$0x3] =	stream.linear.gather [hbm4b:s0+s5], $0x4000, $0x38;
	[tilespmem:$0x1E900] =	vst v63  }
0x16: {  	_ =	swait.ge [sflag:s18], $0x4000  }
0x17: {  	[sflag:s18] =	ssyncset.done $0x0  }
0x18: {  	[sflag:s18] =	ssyncadd.s32 $0xFFFFC000  }
0x19: {  	[spmem:s9] =	stream.linear.scatter [tilespmem:s19], [sflag:$0x3], $0x4000, $0x38;
	[tilespmem:$0x1E900] =	vst v63  }
0x1a: {  	_ =	swait.ge [sflag:s18], $0x4000  }
0x1b: {  	[sflag:s18] =	ssyncset.done $0x0  }
0x1c: {  	[sflag:s18] =	ssyncadd.s32 $0xFFFFC000  }
0x1d: {  	[spmem:s10] =	stream.linear.scatter [tilespmem:s19], [sflag:$0x3], $0x4000, $0x38;
	[tilespmem:$0x1E900] =	vst v63  }
0x1e: {  	_ =	swait.ge [sflag:s18], $0x4000  }
0x1f: {  	[sflag:s18] =	ssyncset.done $0x0  }
0x20: {  	[sflag:s18] =	ssyncadd.s32 $0xFFFFC000  }
0x21: {  	[spmem:s11] =	stream.linear.scatter [tilespmem:s19], [sflag:$0x3], $0x4000, $0x38;
	[tilespmem:$0x1E900] =	vst v63  }
0x22: {  	_ =	swait.ge [sflag:s18], $0x4000  }
0x23: {  	[sflag:s18] =	ssyncset.done $0x0  }
0x24: {  	[sflag:s18] =	ssyncadd.s32 $0xFFFFC000  }
0x25: {  	[spmem:s12] =	stream.linear.scatter [tilespmem:s19], [sflag:$0x3], $0x4000, $0x38;
	[tilespmem:$0x1E900] =	vst v63  }
0x26: {  	_ =	swait.ge [sflag:s18], $0x4000  }
0x27: {  	[sflag:s18] =	ssyncset.done $0x0  }
0x28: {  	[sflag:s18] =	ssyncadd.s32 $0xFFFFC000  }
0x29: {  	[spmem:s13] =	stream.linear.scatter [tilespmem:s19], [sflag:$0x3], $0x4000, $0x38;
	[tilespmem:$0x1E900] =	vst v63  }
0x2a: {  	_ =	swait.ge [sflag:s18], $0x4000  }
0x2b: {  	[sflag:s18] =	ssyncset.done $0x0  }
0x2c: {  	[sflag:s18] =	ssyncadd.s32 $0xFFFFC000  }
0x2d: {  	s2 =	simm.s32 $0x0;
	[bflag:$0x0] =	sbarrier.arrive $0xFFFF  }
0x2e: {  	[tilespmem:s19], [sflag:$0x1] =	stream.indirect.gather [hbm4b:s1+s22], $0x80, s5, s22, $0xb8;
	[tilespmem:$0x1E900] =	vst v63  }
0x2f: {  	s29 =	simm.s32 $0x80;
	s2 =	sand.u32 $0x3C00, s2  }
0x30: {  	[tilespmem:s20], [sflag:$0x2] =	stream.linear.gather [hbm4b:s14+s5], $0x80, $0x38;
	[tilespmem:$0x1E900] =	vst v63  }
0x31: {  	s29 =	sand.u32 $0x380, s29;
	s2 =	sadd.s32 s4, s2;
	_ =	swait.ge [sflag:s21], $0x4000  }
0x32: {  	s2 =	sor.u32 s2, s29;
	[sflag:s21] =	ssyncset.done $0x0  }
0x33: {  	s2 =	sshrl.u32 s2, $0x3;
	[sflag:s21] =	ssyncadd.s32 $0xFFFFC000  }
0x34: {  	[tilespmem:s23], [sflag:$0x1] =	stream.indirect.gather [hbm4b:s1+s22], $0x80, s22, s22, $0xb8;
	[tilespmem:$0x1E900] =	vst v63  }
0x35: {  	s2 =	sadd.s32 s6, s2  }
0x36: {  	[tilespmem:s24], [sflag:$0x2] =	stream.linear.gather [hbm4b:s2+s5], $0x80, $0x38;
	[tilespmem:$0x1E900] =	vst v63  }
0x37: {  	_ =	swait.ge [sflag:s25], $0x80  }
0x38: {  	[sflag:s25] =	ssyncset.done $0x0  }
0x39: {  	[sflag:s25] =	ssyncadd.s32 $0xFFFFFF80  }
0x3a: {  	[spmem:s3] =	stream.indirect.scatter.add.f32 [tilespmem:s19], [sflag:$0x3], $0x80, s20, s22, $0xb8;
	[tilespmem:$0x1E900] =	vst v63  }
0x3b: {  	_ =	swait.ge [sflag:s18], $0x4000  }
0x3c: {  	s26 =	simm.s32 $0x100;
	[sflag:s18] =	ssyncset.done $0x0  }
0x3d: {  	s29 =	sand.u32 $0x7C00, s26;
	[sflag:s18] =	ssyncadd.s32 $0xFFFFC000  }
0x3e: {  	s29 =	sadd.s32 s4, s29;
	s2 =	sand.u32 $0x300, s26;
	_ =	swait.ge [sflag:s21], $0x4000  }
0x3f: {  	s2 =	sor.u32 s2, s29;
	[sflag:s21] =	ssyncset.done $0x0  }
0x40: {  	s29 =	simm.s32 $0x100;
	s2 =	sshrl.u32 s2, $0x3;
	[sflag:s21] =	ssyncadd.s32 $0xFFFFC000  }
0x41: {  	[tilespmem:s19], [sflag:$0x1] =	stream.indirect.gather [hbm4b:s1+s22], $0x80, s29, s22, $0xb8;
	[tilespmem:$0x1E900] =	vst v63  }
0x42: {  	s2 =	sadd.s32 s6, s2  }
0x43: {  	[tilespmem:s20], [sflag:$0x2] =	stream.linear.gather [hbm4b:s2+s5], $0x80, $0x38;
	[tilespmem:$0x1E900] =	vst v63  }
0x44: {  	_ =	swait.ge [sflag:s25], $0x80  }
0x45: {  	[sflag:s25] =	ssyncset.done $0x0  }
0x46: {  	s30 =	simm.s32 $0x200;
	[sflag:s25] =	ssyncadd.s32 $0xFFFFFF80  }
0x47: {  	[spmem:s3] =	stream.indirect.scatter.add.f32 [tilespmem:s23], [sflag:$0x3], $0x80, s24, s22, $0xb8;
	[tilespmem:$0x1E900] =	vst v63  }
0x48: {  	s31 =	simm.s32 $0x300;
	s29 =	simm.s32 $0x180;
	_ =	swait.ge [sflag:s18], $0x4000  }
.LBB2_2:
0x49: {  	s0 =	sadd.s32 $0xFFFFFF00, s30  }
0x4a: {  	[sflag:s18] =	ssyncset.done $0x0;
	s26 =	smov.u32 s31;
	s2 =	sadd.s32 $0x100, s31  }
0x4b: {  	s7 =	sadd.s32 $0xFFFFFF80, s30;
	s0 =	sand.u32 $0x3C00, s0;
	[sflag:s18] =	ssyncadd.s32 $0xFFFFC000  }
0x4c: {  	s7 =	sand.u32 $0x380, s7;
	_ =	swait.ge [sflag:s21], $0x4000;
	s0 =	sadd.s32 s4, s0  }
0x4d: {  	p0 =	sne.s32 s31, $0x2700;
	[sflag:s21] =	ssyncset.done $0x0;
	s0 =	sor.u32 s0, s7  }
0x4e: {  	[sflag:s21] =	ssyncadd.s32 $0xFFFFC000;
	s0 =	sshrl.u32 s0, $0x3  }
0x4f: {  	[tilespmem:s23], [sflag:$0x1] =	stream.indirect.gather [hbm4b:s1+s22], $0x80, s29, s22, $0xb8;
	[tilespmem:$0x1E900] =	vst v63  }
0x50: {  	s0 =	sadd.s32 s6, s0  }
0x51: {  	[tilespmem:s24], [sflag:$0x2] =	stream.linear.gather [hbm4b:s0+s5], $0x80, $0x38;
	[tilespmem:$0x1E900] =	vst v63  }
0x52: {  	_ =	swait.ge [sflag:s25], $0x80  }
0x53: {  	[sflag:s25] =	ssyncset.done $0x0  }
0x54: {  	[sflag:s25] =	ssyncadd.s32 $0xFFFFFF80  }
0x55: {  	[spmem:s3] =	stream.indirect.scatter.add.f32 [tilespmem:s19], [sflag:$0x3], $0x80, s20, s22, $0xb8;
	[tilespmem:$0x1E900] =	vst v63  }
0x56: {  	_ =	swait.ge [sflag:s18], $0x4000  }
0x57: {  	[sflag:s18] =	ssyncset.done $0x0  }
0x58: {  	s0 =	sand.u32 $0x7C00, s30;
	[sflag:s18] =	ssyncadd.s32 $0xFFFFC000  }
0x59: {  	s7 =	sand.u32 $0x300, s30;
	s0 =	sadd.s32 s4, s0;
	_ =	swait.ge [sflag:s21], $0x4000  }
0x5a: {  	s30 =	smov.u32 s26;
	s0 =	sor.u32 s7, s0;
	[sflag:s21] =	ssyncset.done $0x0  }
0x5b: {  	s7 =	sadd.s32 $0x80, s29;
	s0 =	sshrl.u32 s0, $0x3;
	[sflag:s21] =	ssyncadd.s32 $0xFFFFC000  }
0x5c: {  	[tilespmem:s19], [sflag:$0x1] =	stream.indirect.gather [hbm4b:s1+s22], $0x80, s7, s22, $0xb8;
	[tilespmem:$0x1E900] =	vst v63  }
0x5d: {  	s0 =	sadd.s32 s6, s0  }
0x5e: {  	[tilespmem:s20], [sflag:$0x2] =	stream.linear.gather [hbm4b:s0+s5], $0x80, $0x38;
	[tilespmem:$0x1E900] =	vst v63  }
.Ltmp0:
0x5f: {  	_ =	swait.ge [sflag:s25], $0x80;
	(pc) =	sbr.rel @p0 .LBB2_2-.Ltmp0, $4  }
0x60: {  	[sflag:s25] =	ssyncset.done $0x0  }
0x61: {  	[sflag:s25] =	ssyncadd.s32 $0xFFFFFF80  }
0x62: {  	[spmem:s3] =	stream.indirect.scatter.add.f32 [tilespmem:s23], [sflag:$0x3], $0x80, s24, s22, $0xb8;
	[tilespmem:$0x1E900] =	vst v63  }
0x63: {  	s31 =	smov.u32 s2;
	s29 =	sadd.s32 $0x100, s29;
	_ =	swait.ge [sflag:s18], $0x4000  }
0x64: {  	s0 =	sadd.s32 $0xFFFFFF00, s30;
	[sflag:s18] =	ssyncset.done $0x0  }
0x65: {  	s2 =	sadd.s32 $0xFFFFFF80, s30;
	s0 =	sand.u32 $0x3C00, s0;
	[sflag:s18] =	ssyncadd.s32 $0xFFFFC000  }
0x66: {  	s2 =	sand.u32 $0x380, s2;
	_ =	swait.ge [sflag:s21], $0x4000;
	s0 =	sadd.s32 s4, s0  }
0x67: {  	[sflag:s21] =	ssyncset.done $0x0;
	s0 =	sor.u32 s0, s2  }
0x68: {  	[sflag:s21] =	ssyncadd.s32 $0xFFFFC000;
	s0 =	sshrl.u32 s0, $0x3  }
0x69: {  	[tilespmem:s23], [sflag:$0x1] =	stream.indirect.gather [hbm4b:s1+s22], $0x80, s29, s22, $0xb8;
	[tilespmem:$0x1E900] =	vst v63  }
0x6a: {  	s0 =	sadd.s32 s6, s0  }
0x6b: {  	[tilespmem:s24], [sflag:$0x2] =	stream.linear.gather [hbm4b:s0+s5], $0x80, $0x38;
	[tilespmem:$0x1E900] =	vst v63  }
0x6c: {  	_ =	swait.ge [sflag:s25], $0x80  }
0x6d: {  	[sflag:s25] =	ssyncset.done $0x0  }
0x6e: {  	[sflag:s25] =	ssyncadd.s32 $0xFFFFFF80  }
0x6f: {  	[spmem:s3] =	stream.indirect.scatter.add.f32 [tilespmem:s19], [sflag:$0x3], $0x80, s20, s22, $0xb8;
	[tilespmem:$0x1E900] =	vst v63  }
0x70: {  	_ =	swait.ge [sflag:s18], $0x4000  }
0x71: {  	[sflag:s18] =	ssyncset.done $0x0  }
0x72: {  	s2 =	sand.u32 $0x7C00, s30;
	[sflag:s18] =	ssyncadd.s32 $0xFFFFC000  }
0x73: {  	s7 =	sand.u32 $0x300, s30;
	s0 =	sadd.s32 s4, s2;
	_ =	swait.ge [sflag:s21], $0x4000  }
0x74: {  	s0 =	sor.u32 s7, s0;
	[sflag:s21] =	ssyncset.done $0x0  }
0x75: {  	s26 =	sadd.s32 $0x80, s29;
	s0 =	sshrl.u32 s0, $0x3;
	[sflag:s21] =	ssyncadd.s32 $0xFFFFC000  }
0x76: {  	[tilespmem:s19], [sflag:$0x1] =	stream.indirect.gather [hbm4b:s1+s22], $0x80, s26, s22, $0xb8;
	[tilespmem:$0x1E900] =	vst v63  }
0x77: {  	s0 =	sadd.s32 s6, s0  }
0x78: {  	[tilespmem:s20], [sflag:$0x2] =	stream.linear.gather [hbm4b:s0+s5], $0x80, $0x38;
	[tilespmem:$0x1E900] =	vst v63  }
0x79: {  	_ =	swait.ge [sflag:s25], $0x80  }
0x7a: {  	[sflag:s25] =	ssyncset.done $0x0  }
0x7b: {  	[sflag:s25] =	ssyncadd.s32 $0xFFFFFF80  }
0x7c: {  	[spmem:s3] =	stream.indirect.scatter.add.f32 [tilespmem:s23], [sflag:$0x3], $0x80, s24, s22, $0xb8;
	[tilespmem:$0x1E900] =	vst v63  }
0x7d: {  	_ =	swait.ge [sflag:s18], $0x4000  }
0x7e: {  	[sflag:s18] =	ssyncset.done $0x0  }
0x7f: {  	[sflag:s18] =	ssyncadd.s32 $0xFFFFC000  }
0x80: {  	_ =	swait.ge [sflag:s21], $0x4000  }
0x81: {  	[sflag:s21] =	ssyncset.done $0x0  }
0x82: {  	s29 =	simm.s32 $0x2780;
	[sflag:s21] =	ssyncadd.s32 $0xFFFFC000  }
0x83: {  	[tilespmem:s23], [sflag:$0x1] =	stream.indirect.gather [hbm4b:s1+s22], $0x80, s29, s22, $0xb8;
	[tilespmem:$0x1E900] =	vst v63  }
0x84: {  	_ = 	snop  }
0x85: {  	[tilespmem:s24], [sflag:$0x2] =	stream.linear.gather [hbm4b:s17+s5], $0x80, $0x38;
	[tilespmem:$0x1E900] =	vst v63  }
0x86: {  	_ =	swait.ge [sflag:s25], $0x80  }
0x87: {  	[sflag:s25] =	ssyncset.done $0x0  }
0x88: {  	[sflag:s25] =	ssyncadd.s32 $0xFFFFFF80  }
0x89: {  	[spmem:s3] =	stream.indirect.scatter.add.f32 [tilespmem:s19], [sflag:$0x3], $0x80, s20, s22, $0xb8;
	[tilespmem:$0x1E900] =	vst v63  }
0x8a: {  	_ =	swait.ge [sflag:s18], $0x4000  }
0x8b: {  	[sflag:s18] =	ssyncset.done $0x0  }
0x8c: {  	[sflag:s18] =	ssyncadd.s32 $0xFFFFC000  }
0x8d: {  	_ =	swait.ge [sflag:s21], $0x4000  }
0x8e: {  	[sflag:s21] =	ssyncset.done $0x0  }
0x8f: {  	[sflag:s21] =	ssyncadd.s32 $0xFFFFC000  }
0x90: {  	_ =	swait.ge [sflag:s25], $0x80  }
0x91: {  	[sflag:s25] =	ssyncset.done $0x0  }
0x92: {  	[sflag:s25] =	ssyncadd.s32 $0xFFFFFF80  }
0x93: {  	[spmem:s3] =	stream.indirect.scatter.add.f32 [tilespmem:s23], [sflag:$0x3], $0x80, s24, s22, $0xb8;
	[tilespmem:$0x1E900] =	vst v63  }
0x94: {  	s31 =	sshrl.u32 s9, $0x3;
	_ =	swait.ge [sflag:s18], $0x4000  }
0x95: {  	s28 =	sadd.s32 $0x1, s28;
	s30 =	stileid.u32;
	[sflag:s18] =	ssyncset.done $0x0  }
0x96: {  	p0 =	sne.s32 s28, s16;
	s0 =	sshll.u32 s30, $0x6;
	[sflag:s18] =	ssyncadd.s32 $0xFFFFC000  }
.Ltmp1:
0x97: {  	s0 =	sor.u32 $0x1C03, s0;
	[bflag:$0x0] =	sbarrier.arrive $0xFFFF;
	(pc) =	sbr.rel @p0 .LBB2_1-.Ltmp1, $4  }
0x98: {  	[hbm:s15], [sflag:s0] =	dma.local [spmem:s31], $0x2800  }
0x99: {  	_ =	swait.ge [sflag:s18], $0x2800  }
0x9a: {  	[sflag:s18] =	ssyncset.done $0x0  }
0x9b: {  	[sflag:s18] =	ssyncadd.s32 $0xFFFFD800  }
0x9c: {  	_ =	sfence.sel $0x180000  }
0x9d: {  	[bflag:$0x0] =	sbarrier.arrive $0xFFFF  }
0x9e: {  	_ =	strace $0x9000004A  }
0x9f: {  	s0 =	stileid.u32;
	[bflag:$0x2] =	sbarrier.arrive $0xFFFF  }
0xa0: {  	p0 =	sne.s32 s0, $0x0;
	s0 =	rddreg [dreg:$0x3]  }
0xa1: {  	s0 =	sadd.s32 @!p0 $0x100000, s0  }
0xa2: {  	[sflag:s0] =	ssyncadd.tile.s32 @!p0 $0x1;
	_ =	shalt  }
.Lfunc_end2:
_tile_overlayer_lowered:
.L_overlay_start_2:
0xa3: {  	(tag) =	ssettag $0x2  }
0xa4: {  	s0 =	rddreg [dreg:$0x0];
	s2 =	stileid.u32  }
0xa5: {  	s1 =	rddreg [dreg:$0x1];
	p0 =	sne.s32 s2, $0x0  }
0xa6: {  	s3 =	rddreg [dreg:$0x2];
	[bflag:$0x3] =	sbarrier.arrive $0xFFFF;
	s2 =	simm.s32 @!p0 $0x1C03  }
0xa7: {  	[timem:s3], [sflag:s2] =	dma.local @!p0 [hbm:s0], s1  }
0xa8: {  	s0 =	simm.s32 @!p0 $0x3  }
0xa9: {  	_ =	swait.ge @!p0 [sflag:s0], s1  }
0xaa: {  	s1 =	ssub.s32 @!p0 $0x0, s1;
	[sflag:s0] =	ssyncset.done @!p0 $0x0  }
0xab: {  	[sflag:s0] =	ssyncadd.s32 @!p0 s1  }
0xac: {  	[bflag:$0x3] =	sbarrier.arrive $0xFFFF  }
0xad: {  	_ =	shalt  }

</sc_bundles>
